<compile_context>
chip_gen: v7x
topology: tpu7x:2x2x1
jax: 0.10.2.dev20260603
libtpu: 0.0.44.dev20260713+nightly
codegen_flags: <defaults>
</compile_context>

<pallas_src>
import functools

import jax
import jax.numpy as jnp
from jax import lax
from jax.experimental import pallas as pl
from jax.experimental.pallas import tpu as pltpu
from jax.experimental.pallas import tpu_sc as plsc

N = 10000
E = 160000
D = 256
K = 3

NC = 2
NQ = 2
NS = 16
DQ = D // (NC * NQ)
ET = E // NS
CH = 128
NBUF = 2
NCH = (ET + CH - 1) // CH
NCH = ((NCH + NBUF - 1) // NBUF) * NBUF
NP = 10240
RPT = NP // NS


def _make_kernel():
    mesh = plsc.VectorSubcoreMesh(core_axis_name="c", subcore_axis_name="s")

    @functools.partial(
        pl.kernel,
        out_type=jax.ShapeDtypeStruct((N, D), jnp.float32),
        mesh=mesh,
        compiler_params=pltpu.CompilerParams(use_tc_tiling_on_sc=False),
        scratch_types=(
            [pltpu.VMEM((NCH + NBUF, CH), jnp.int32),
             pltpu.VMEM((NCH, CH), jnp.int32)]
            + [pltpu.VMEM((CH, DQ), jnp.float32)
               for _ in range(NBUF)]
            + [pltpu.VMEM_SHARED((NP, DQ), jnp.float32),
               pltpu.VMEM_SHARED((NP, DQ), jnp.float32)]
            + [pltpu.SemaphoreType.DMA for _ in range(NBUF)]
        ),
    )
    def kgin_sc(xr_hbm, colb_hbm, rowb_hbm, zrows_hbm, out_hbm,
                colv, rowv, *rest):
        bufs = rest[:NBUF]
        ping = rest[NBUF]
        pong = rest[NBUF + 1]
        gsems = rest[NBUF + 2:]
        c = lax.axis_index("c")
        s = lax.axis_index("s")

        pltpu.sync_copy(colb_hbm.at[s], colv)
        pltpu.sync_copy(rowb_hbm.at[s], rowv)

        def edge_loop(src, dst):
            for b in range(NBUF):
                pltpu.async_copy(src.at[colv.at[b]], bufs[b], gsems[b])

            def outer(i, carry):
                j0 = i * NBUF
                for b in range(NBUF):
                    j = j0 + b
                    pltpu.make_async_copy(src.at[colv.at[j]], bufs[b],
                                          gsems[b]).wait()
                    pltpu.sync_copy(bufs[b], dst.at[rowv.at[j]], add=True)
                    pltpu.async_copy(src.at[colv.at[j + NBUF]], bufs[b],
                                     gsems[b])
                return carry

            lax.fori_loop(0, NCH // NBUF, outer, 0)

            for b in range(NBUF):
                pltpu.make_async_copy(src.at[colv.at[0]], bufs[b],
                                      gsems[b]).wait()

        my = pl.ds(s * RPT, RPT)
        tail = NS - 1
        trows = N - tail * RPT

        def stage(q):
            fcol = pl.ds((c * NQ + q) * DQ, DQ)

            @pl.when(s < tail)
            def _():
                pltpu.async_copy(xr_hbm.at[pl.ds(s * RPT, RPT), fcol],
                                 ping.at[my], gsems[0])

            @pl.when(s == tail)
            def _():
                pltpu.async_copy(xr_hbm.at[pl.ds(tail * RPT, trows), fcol],
                                 ping.at[pl.ds(tail * RPT, trows)], gsems[0])

        def wait_stage():
            @pl.when(s < tail)
            def _():
                pltpu.make_async_copy(zrows_hbm, ping.at[my],
                                      gsems[0]).wait()

            @pl.when(s == tail)
            def _():
                pltpu.make_async_copy(zrows_hbm.at[pl.ds(0, trows)],
                                      ping.at[pl.ds(tail * RPT, trows)],
                                      gsems[0]).wait()

        def publish(q, dst):
            fcol = pl.ds((c * NQ + q) * DQ, DQ)

            @pl.when(s < tail)
            def _():
                pltpu.sync_copy(dst.at[my],
                                out_hbm.at[pl.ds(s * RPT, RPT), fcol])

            @pl.when(s == tail)
            def _():
                pltpu.sync_copy(dst.at[pl.ds(tail * RPT, trows)],
                                out_hbm.at[pl.ds(tail * RPT, trows), fcol])

        stage(0)
        pltpu.sync_copy(zrows_hbm, pong.at[my])
        wait_stage()
        plsc.subcore_barrier()

        for q in range(NQ):
            for h in range(K):
                src, dst = (ping, pong) if h % 2 == 0 else (pong, ping)
                edge_loop(src, dst)
                plsc.subcore_barrier()
                if h < K - 1:
                    pltpu.sync_copy(zrows_hbm, src.at[my])
                    plsc.subcore_barrier()
            if q < NQ - 1:
                stage(q + 1)
                publish(q, pong)
                pltpu.sync_copy(zrows_hbm, pong.at[my])
                wait_stage()
                plsc.subcore_barrier()
            else:
                publish(q, pong)
                plsc.subcore_barrier()

    return kgin_sc


_KGIN = _make_kernel()


def kernel(x, adj1):
    row = adj1[0].astype(jnp.int32)
    col = adj1[1].astype(jnp.int32)

    pad = NCH * CH - ET
    col_t = jnp.pad(col.reshape(NS, ET), ((0, 0), (0, pad)))
    row_t = jnp.pad(row.reshape(NS, ET), ((0, 0), (0, pad)),
                    constant_values=N)
    col_t = col_t.reshape(NS, NCH, CH)
    row_t = row_t.reshape(NS, NCH, CH)

    colb = jnp.concatenate(
        [col_t, jnp.zeros((NS, NBUF, CH), jnp.int32)], axis=1)

    zrows = jnp.zeros((RPT, DQ), jnp.float32)
    return _KGIN(x, colb, row_t, zrows)

# --- scband reference (transcript-rebuilt; emitter-appended) ---
"""Pipeline reference for scband-kgin-38783554683293 (READ-ONLY COPY).

The authoritative reference and input builder live on the scoring server;
editing this copy changes nothing except your own understanding.
"""

import jax, jax.numpy as jnp
import numpy as np

N = 10000
E = 160000
D = 256
K = 3

def setup_inputs(seed: int = 0) -> dict:
    key = jax.random.key(seed)
    k1, k2 = jax.random.split(key)
    x = jax.random.normal(k1, (N, D), dtype=jnp.float32)
    adj1 = jax.random.randint(k2, (2, E), 0, N).astype(jnp.int64)
    return {"x": x, "adj1": adj1}

def reference(x, adj1):
    # Faithful translation of KGIN.forward:
    #   sp_index = SparseTensor.from_edge_index(adj1); sp_index.set_value(None)
    #   -> binary adjacency A with A[row, col] = 1, row = adj1[0], col = adj1[1]
    #   k_adj = A; for _ in range(K-1): k_adj = matmul(k_adj, A)  -> A^K
    #   then propagate node features: out = A^K @ x
    # Implemented as K successive sparse propagations (mathematically identical,
    # avoids materializing the K-hop adjacency):
    #   (A @ h)[i] = sum_{(i, j) in edges} h[j]
    row = adj1[0]
    col = adj1[1]
    out = x
    for _ in range(K):
        gathered = jnp.take(out, col, axis=0)          # gather source-node features per edge
        out = jax.ops.segment_sum(gathered, row, num_segments=N)  # scatter-add to dst nodes
    return out

if __name__ == "__main__":
    import jax
    _d = setup_inputs()
    print(jax.jit(kernel)(*tuple(_d.values())))

</pallas_src>

<mosaic_0001>
#map = affine_map<(d0, d1) -> (0, 0)>
#map1 = affine_map<(d0, d1) -> (0, 0, 0)>
module attributes {stable_mosaic.version = 14 : i64} {
  func.func @kgin_sc(%arg0: i32, %arg1: i32, %arg2: memref<10000x256xf32, #tpu.memory_space<hbm>>, %arg3: memref<16x82x128xi32, #tpu.memory_space<hbm>>, %arg4: memref<16x80x128xi32, #tpu.memory_space<hbm>>, %arg5: memref<640x64xf32, #tpu.memory_space<hbm>>, %arg6: memref<10000x256xf32, #tpu.memory_space<hbm>>, %arg7: memref<82x128xi32, #tpu.memory_space<vmem>>, %arg8: memref<80x128xi32, #tpu.memory_space<vmem>>, %arg9: memref<128x64xf32, #tpu.memory_space<vmem>>, %arg10: memref<128x64xf32, #tpu.memory_space<vmem>>, %arg11: memref<10240x64xf32, #tpu.memory_space<vmem_shared>>, %arg12: memref<10240x64xf32, #tpu.memory_space<vmem_shared>>, %arg13: memref<!tpu.dma_semaphore, #tpu.memory_space<semaphore_mem>>, %arg14: memref<!tpu.dma_semaphore, #tpu.memory_space<semaphore_mem>>) attributes {dimension_semantics = [#tpu.dimension_semantics<core_parallel>, #tpu.dimension_semantics<subcore_parallel>], iteration_bounds = array<i64: 2, 16>, scalar_prefetch = 0 : i64, scratch_operands = 8 : i64, tpu.core_type = #tpu.core_type<sc_vector_subcore>, window_params = [{transform_indices = #map}, {transform_indices = #map1}, {transform_indices = #map1}, {transform_indices = #map}, {transform_indices = #map}]} {
    "tpu.region"() ({
      %run_scoped3A = tpu.sem_alloc : memref<!tpu.dma_semaphore, #tpu.memory_space<semaphore_mem>>
      %dma_start3A_293 = arith.constant 0 : i32
      %dma_start3A_294 = arith.constant 0 : i32
      %dma_start3A_295 = tpu.memref_slice %arg3[%arg1, %dma_start3A_293, %dma_start3A_294] : memref<16x82x128xi32, #tpu.memory_space<hbm>> -> memref<1x82x128xi32, #tpu.memory_space<hbm>>
      %dma_start3A_296 = tpu.memref_squeeze %dma_start3A_295 : memref<1x82x128xi32, #tpu.memory_space<hbm>> -> memref<82x128xi32, #tpu.memory_space<hbm>>
      %dma_start3A_297 = arith.constant 0 : i32
      %dma_start3A_298 = arith.constant 0 : i32
      %dma_start3A_299 = tpu.memref_slice %arg3[%arg1, %dma_start3A_297, %dma_start3A_298] : memref<16x82x128xi32, #tpu.memory_space<hbm>> -> memref<1x82x128xi32, #tpu.memory_space<hbm>>
      %dma_start3A_300 = tpu.memref_squeeze %dma_start3A_299 : memref<1x82x128xi32, #tpu.memory_space<hbm>> -> memref<82x128xi32, #tpu.memory_space<hbm>>
      tpu.enqueue_dma source(%dma_start3A_300 : memref<82x128xi32, #tpu.memory_space<hbm>>) target(%arg7 : memref<82x128xi32, #tpu.memory_space<vmem>>) target_semaphore(%run_scoped3A : memref<!tpu.dma_semaphore, #tpu.memory_space<semaphore_mem>>)
      %dma_wait3A_301 = arith.constant 0 : i32
      %dma_wait3A_302 = arith.constant 0 : i32
      %dma_wait3A_303 = tpu.memref_slice %arg3[%arg1, %dma_wait3A_301, %dma_wait3A_302] : memref<16x82x128xi32, #tpu.memory_space<hbm>> -> memref<1x82x128xi32, #tpu.memory_space<hbm>>
      %dma_wait3A_304 = tpu.memref_squeeze %dma_wait3A_303 : memref<1x82x128xi32, #tpu.memory_space<hbm>> -> memref<82x128xi32, #tpu.memory_space<hbm>>
      %dma_wait3A_305 = arith.constant 0 : i32
      %dma_wait3A_306 = arith.constant 0 : i32
      %dma_wait3A_307 = tpu.memref_slice %arg3[%arg1, %dma_wait3A_305, %dma_wait3A_306] : memref<16x82x128xi32, #tpu.memory_space<hbm>> -> memref<1x82x128xi32, #tpu.memory_space<hbm>>
      %dma_wait3A_308 = tpu.memref_squeeze %dma_wait3A_307 : memref<1x82x128xi32, #tpu.memory_space<hbm>> -> memref<82x128xi32, #tpu.memory_space<hbm>>
      tpu.wait_dma2 semaphore(%run_scoped3A : memref<!tpu.dma_semaphore, #tpu.memory_space<semaphore_mem>>) src(%dma_wait3A_308 : memref<82x128xi32, #tpu.memory_space<hbm>>) dst(%arg7 : memref<82x128xi32, #tpu.memory_space<vmem>>)
      tpu.yield
    }) : () -> ()
    "tpu.region"() ({
      %run_scoped3A = tpu.sem_alloc : memref<!tpu.dma_semaphore, #tpu.memory_space<semaphore_mem>>
      %dma_start3A_293 = arith.constant 0 : i32
      %dma_start3A_294 = arith.constant 0 : i32
      %dma_start3A_295 = tpu.memref_slice %arg4[%arg1, %dma_start3A_293, %dma_start3A_294] : memref<16x80x128xi32, #tpu.memory_space<hbm>> -> memref<1x80x128xi32, #tpu.memory_space<hbm>>
      %dma_start3A_296 = tpu.memref_squeeze %dma_start3A_295 : memref<1x80x128xi32, #tpu.memory_space<hbm>> -> memref<80x128xi32, #tpu.memory_space<hbm>>
      %dma_start3A_297 = arith.constant 0 : i32
      %dma_start3A_298 = arith.constant 0 : i32
      %dma_start3A_299 = tpu.memref_slice %arg4[%arg1, %dma_start3A_297, %dma_start3A_298] : memref<16x80x128xi32, #tpu.memory_space<hbm>> -> memref<1x80x128xi32, #tpu.memory_space<hbm>>
      %dma_start3A_300 = tpu.memref_squeeze %dma_start3A_299 : memref<1x80x128xi32, #tpu.memory_space<hbm>> -> memref<80x128xi32, #tpu.memory_space<hbm>>
      tpu.enqueue_dma source(%dma_start3A_300 : memref<80x128xi32, #tpu.memory_space<hbm>>) target(%arg8 : memref<80x128xi32, #tpu.memory_space<vmem>>) target_semaphore(%run_scoped3A : memref<!tpu.dma_semaphore, #tpu.memory_space<semaphore_mem>>)
      %dma_wait3A_301 = arith.constant 0 : i32
      %dma_wait3A_302 = arith.constant 0 : i32
      %dma_wait3A_303 = tpu.memref_slice %arg4[%arg1, %dma_wait3A_301, %dma_wait3A_302] : memref<16x80x128xi32, #tpu.memory_space<hbm>> -> memref<1x80x128xi32, #tpu.memory_space<hbm>>
      %dma_wait3A_304 = tpu.memref_squeeze %dma_wait3A_303 : memref<1x80x128xi32, #tpu.memory_space<hbm>> -> memref<80x128xi32, #tpu.memory_space<hbm>>
      %dma_wait3A_305 = arith.constant 0 : i32
      %dma_wait3A_306 = arith.constant 0 : i32
      %dma_wait3A_307 = tpu.memref_slice %arg4[%arg1, %dma_wait3A_305, %dma_wait3A_306] : memref<16x80x128xi32, #tpu.memory_space<hbm>> -> memref<1x80x128xi32, #tpu.memory_space<hbm>>
      %dma_wait3A_308 = tpu.memref_squeeze %dma_wait3A_307 : memref<1x80x128xi32, #tpu.memory_space<hbm>> -> memref<80x128xi32, #tpu.memory_space<hbm>>
      tpu.wait_dma2 semaphore(%run_scoped3A : memref<!tpu.dma_semaphore, #tpu.memory_space<semaphore_mem>>) src(%dma_wait3A_308 : memref<80x128xi32, #tpu.memory_space<hbm>>) dst(%arg8 : memref<80x128xi32, #tpu.memory_space<vmem>>)
      tpu.yield
    }) : () -> ()
    %mul3A = arith.constant 640 : i32
    %mul3A_0 = arith.muli %arg1, %mul3A : i32
    %mul3A_1 = arith.constant 2 : i32
    %mul3A_2 = arith.muli %arg0, %mul3A_1 : i32
    %add3A = arith.constant 0 : i32
    %add3A_3 = arith.addi %mul3A_2, %add3A : i32
    %mul3A_4 = arith.constant 64 : i32
    %mul3A_5 = arith.muli %add3A_3, %mul3A_4 : i32
    %lt3A = arith.constant 15 : i32
    %lt3A_6 = arith.cmpi slt, %arg1, %lt3A : i32
    %convert_element_type3A = arith.extui %lt3A_6 : i1 to i32
    %cond3A = arith.constant 0 : i32
    %cond3A_7 = arith.cmpi ne, %convert_element_type3A, %cond3A : i32
    scf.if %cond3A_7 {
      %mul3A_293 = arith.constant 640 : i32
      %mul3A_294 = arith.muli %arg1, %mul3A_293 : i32
      %dma_start3A_295 = arith.constant 0 : i32
      %dma_start3A_296 = tpu.memref_slice %arg11[%mul3A_0, %dma_start3A_295] : memref<10240x64xf32, #tpu.memory_space<vmem_shared>> -> memref<640x64xf32, #tpu.memory_space<vmem_shared>>
      %dma_start3A_297 = tpu.memref_slice %arg2[%mul3A_294, %mul3A_5] : memref<10000x256xf32, #tpu.memory_space<hbm>> -> memref<640x64xf32, #tpu.memory_space<hbm>>
      tpu.enqueue_dma source(%dma_start3A_297 : memref<640x64xf32, #tpu.memory_space<hbm>>) target(%dma_start3A_296 : memref<640x64xf32, #tpu.memory_space<vmem_shared>>) target_semaphore(%arg13 : memref<!tpu.dma_semaphore, #tpu.memory_space<semaphore_mem>>)
    } else {
    }
    %eq3A = arith.constant 15 : i32
    %eq3A_8 = arith.cmpi eq, %arg1, %eq3A : i32
    %convert_element_type3A_9 = arith.extui %eq3A_8 : i1 to i32
    %cond3A_10 = arith.constant 0 : i32
    %cond3A_11 = arith.cmpi ne, %convert_element_type3A_9, %cond3A_10 : i32
    scf.if %cond3A_11 {
      %dma_start3A_293 = arith.constant 9600 : i32
      %dma_start3A_294 = arith.constant 0 : i32
      %dma_start3A_295 = tpu.memref_slice %arg11[%dma_start3A_293, %dma_start3A_294] : memref<10240x64xf32, #tpu.memory_space<vmem_shared>> -> memref<400x64xf32, #tpu.memory_space<vmem_shared>>
      %dma_start3A_296 = arith.constant 9600 : i32
      %dma_start3A_297 = tpu.memref_slice %arg2[%dma_start3A_296, %mul3A_5] : memref<10000x256xf32, #tpu.memory_space<hbm>> -> memref<400x64xf32, #tpu.memory_space<hbm>>
      tpu.enqueue_dma source(%dma_start3A_297 : memref<400x64xf32, #tpu.memory_space<hbm>>) target(%dma_start3A_295 : memref<400x64xf32, #tpu.memory_space<vmem_shared>>) target_semaphore(%arg13 : memref<!tpu.dma_semaphore, #tpu.memory_space<semaphore_mem>>)
    } else {
    }
    "tpu.region"() ({
      %run_scoped3A = tpu.sem_alloc : memref<!tpu.dma_semaphore, #tpu.memory_space<semaphore_mem>>
      %dma_start3A_293 = arith.constant 0 : i32
      %dma_start3A_294 = tpu.memref_slice %arg12[%mul3A_0, %dma_start3A_293] : memref<10240x64xf32, #tpu.memory_space<vmem_shared>> -> memref<640x64xf32, #tpu.memory_space<vmem_shared>>
      tpu.enqueue_dma source(%arg5 : memref<640x64xf32, #tpu.memory_space<hbm>>) target(%dma_start3A_294 : memref<640x64xf32, #tpu.memory_space<vmem_shared>>) target_semaphore(%run_scoped3A : memref<!tpu.dma_semaphore, #tpu.memory_space<semaphore_mem>>)
      %dma_wait3A_295 = arith.constant 0 : i32
      %dma_wait3A_296 = tpu.memref_slice %arg12[%mul3A_0, %dma_wait3A_295] : memref<10240x64xf32, #tpu.memory_space<vmem_shared>> -> memref<640x64xf32, #tpu.memory_space<vmem_shared>>
      tpu.wait_dma2 semaphore(%run_scoped3A : memref<!tpu.dma_semaphore, #tpu.memory_space<semaphore_mem>>) src(%arg5 : memref<640x64xf32, #tpu.memory_space<hbm>>) dst(%dma_wait3A_296 : memref<640x64xf32, #tpu.memory_space<vmem_shared>>)
      tpu.yield
    }) : () -> ()
    %lt3A_12 = arith.constant 15 : i32
    %lt3A_13 = arith.cmpi slt, %arg1, %lt3A_12 : i32
    %convert_element_type3A_14 = arith.extui %lt3A_13 : i1 to i32
    %cond3A_15 = arith.constant 0 : i32
    %cond3A_16 = arith.cmpi ne, %convert_element_type3A_14, %cond3A_15 : i32
    scf.if %cond3A_16 {
      %dma_wait3A_293 = arith.constant 0 : i32
      %dma_wait3A_294 = tpu.memref_slice %arg11[%mul3A_0, %dma_wait3A_293] : memref<10240x64xf32, #tpu.memory_space<vmem_shared>> -> memref<640x64xf32, #tpu.memory_space<vmem_shared>>
      tpu.wait_dma2 semaphore(%arg13 : memref<!tpu.dma_semaphore, #tpu.memory_space<semaphore_mem>>) src(%arg5 : memref<640x64xf32, #tpu.memory_space<hbm>>) dst(%dma_wait3A_294 : memref<640x64xf32, #tpu.memory_space<vmem_shared>>)
    } else {
    }
    %eq3A_17 = arith.constant 15 : i32
    %eq3A_18 = arith.cmpi eq, %arg1, %eq3A_17 : i32
    %convert_element_type3A_19 = arith.extui %eq3A_18 : i1 to i32
    %cond3A_20 = arith.constant 0 : i32
    %cond3A_21 = arith.cmpi ne, %convert_element_type3A_19, %cond3A_20 : i32
    scf.if %cond3A_21 {
      %dma_wait3A_293 = arith.constant 9600 : i32
      %dma_wait3A_294 = arith.constant 0 : i32
      %dma_wait3A_295 = tpu.memref_slice %arg11[%dma_wait3A_293, %dma_wait3A_294] : memref<10240x64xf32, #tpu.memory_space<vmem_shared>> -> memref<400x64xf32, #tpu.memory_space<vmem_shared>>
      %dma_wait3A_296 = arith.constant 0 : i32
      %dma_wait3A_297 = arith.constant 0 : i32
      %dma_wait3A_298 = tpu.memref_slice %arg5[%dma_wait3A_296, %dma_wait3A_297] : memref<640x64xf32, #tpu.memory_space<hbm>> -> memref<400x64xf32, #tpu.memory_space<hbm>>
      tpu.wait_dma2 semaphore(%arg13 : memref<!tpu.dma_semaphore, #tpu.memory_space<semaphore_mem>>) src(%dma_wait3A_298 : memref<400x64xf32, #tpu.memory_space<hbm>>) dst(%dma_wait3A_295 : memref<400x64xf32, #tpu.memory_space<vmem_shared>>)
    } else {
    }
    %barrier3A = arith.constant 0 : index
    tpu.barrier barrier_id(%barrier3A)
    %dma_start3A = arith.constant 0 : i32
    %dma_start3A_22 = arith.constant 0 : i32
    %dma_start3A_23 = tpu.memref_slice %arg7[%dma_start3A, %dma_start3A_22] : memref<82x128xi32, #tpu.memory_space<vmem>> -> memref<1x128xi32, #tpu.memory_space<vmem>>
    %dma_start3A_24 = tpu.memref_squeeze %dma_start3A_23 : memref<1x128xi32, #tpu.memory_space<vmem>> -> memref<128xi32, #tpu.memory_space<vmem>>
    %dma_start3A_25 = arith.constant 0 : i32
    %dma_start3A_26 = arith.constant 0 : i32
    %dma_start3A_27 = tpu.memref_slice %arg11[%dma_start3A_25, %dma_start3A_26] : memref<10240x64xf32, #tpu.memory_space<vmem_shared>> -> memref<10240x64xf32, #tpu.memory_space<vmem_shared>>
    tpu.enqueue_indirect_dma source(%dma_start3A_27 : memref<10240x64xf32, #tpu.memory_space<vmem_shared>>) target(%arg9 : memref<128x64xf32, #tpu.memory_space<vmem>>) offsets(%dma_start3A_24 : memref<128xi32, #tpu.memory_space<vmem>>) semaphore(%arg13 : memref<!tpu.dma_semaphore, #tpu.memory_space<semaphore_mem>>)
    %dma_start3A_28 = arith.constant 1 : i32
    %dma_start3A_29 = arith.constant 0 : i32
    %dma_start3A_30 = tpu.memref_slice %arg7[%dma_start3A_28, %dma_start3A_29] : memref<82x128xi32, #tpu.memory_space<vmem>> -> memref<1x128xi32, #tpu.memory_space<vmem>>
    %dma_start3A_31 = tpu.memref_squeeze %dma_start3A_30 : memref<1x128xi32, #tpu.memory_space<vmem>> -> memref<128xi32, #tpu.memory_space<vmem>>
    %dma_start3A_32 = arith.constant 0 : i32
    %dma_start3A_33 = arith.constant 0 : i32
    %dma_start3A_34 = tpu.memref_slice %arg11[%dma_start3A_32, %dma_start3A_33] : memref<10240x64xf32, #tpu.memory_space<vmem_shared>> -> memref<10240x64xf32, #tpu.memory_space<vmem_shared>>
    tpu.enqueue_indirect_dma source(%dma_start3A_34 : memref<10240x64xf32, #tpu.memory_space<vmem_shared>>) target(%arg10 : memref<128x64xf32, #tpu.memory_space<vmem>>) offsets(%dma_start3A_31 : memref<128xi32, #tpu.memory_space<vmem>>) semaphore(%arg14 : memref<!tpu.dma_semaphore, #tpu.memory_space<semaphore_mem>>)
    %scan3A = arith.constant 0 : i32
    %scan3A_35 = arith.constant 0 : i32
    %scan3A_36 = arith.constant 40 : i32
    %scan3A_37 = arith.addi %scan3A_35, %scan3A_36 : i32
    %scan3A_38 = arith.constant 1 : i32
    scf.for %scan3A_293 = %scan3A_35 to %scan3A_37 step %scan3A_38  : i32 {
      %mul3A_294 = arith.constant 2 : i32
      %mul3A_295 = arith.muli %scan3A_293, %mul3A_294 : i32
      %add3A_296 = arith.constant 0 : i32
      %add3A_297 = arith.addi %mul3A_295, %add3A_296 : i32
      %dma_wait3A_298 = arith.constant 0 : i32
      %dma_wait3A_299 = tpu.memref_slice %arg7[%add3A_297, %dma_wait3A_298] : memref<82x128xi32, #tpu.memory_space<vmem>> -> memref<1x128xi32, #tpu.memory_space<vmem>>
      %dma_wait3A_300 = tpu.memref_squeeze %dma_wait3A_299 : memref<1x128xi32, #tpu.memory_space<vmem>> -> memref<128xi32, #tpu.memory_space<vmem>>
      %dma_wait3A_301 = arith.constant 0 : i32
      %dma_wait3A_302 = arith.constant 0 : i32
      %dma_wait3A_303 = tpu.memref_slice %arg11[%dma_wait3A_301, %dma_wait3A_302] : memref<10240x64xf32, #tpu.memory_space<vmem_shared>> -> memref<10240x64xf32, #tpu.memory_space<vmem_shared>>
      tpu.wait_indirect_dma semaphore(%arg13 : memref<!tpu.dma_semaphore, #tpu.memory_space<semaphore_mem>>) src(%dma_wait3A_303 : memref<10240x64xf32, #tpu.memory_space<vmem_shared>>) dst(%arg9 : memref<128x64xf32, #tpu.memory_space<vmem>>)
      "tpu.region"() ({
        %run_scoped3A = tpu.sem_alloc : memref<!tpu.dma_semaphore, #tpu.memory_space<semaphore_mem>>
        %dma_start3A_328 = arith.constant 0 : i32
        %dma_start3A_329 = tpu.memref_slice %arg8[%add3A_297, %dma_start3A_328] : memref<80x128xi32, #tpu.memory_space<vmem>> -> memref<1x128xi32, #tpu.memory_space<vmem>>
        %dma_start3A_330 = tpu.memref_squeeze %dma_start3A_329 : memref<1x128xi32, #tpu.memory_space<vmem>> -> memref<128xi32, #tpu.memory_space<vmem>>
        %dma_start3A_331 = arith.constant 0 : i32
        %dma_start3A_332 = arith.constant 0 : i32
        %dma_start3A_333 = tpu.memref_slice %arg12[%dma_start3A_331, %dma_start3A_332] : memref<10240x64xf32, #tpu.memory_space<vmem_shared>> -> memref<10240x64xf32, #tpu.memory_space<vmem_shared>>
        tpu.enqueue_indirect_dma source(%arg9 : memref<128x64xf32, #tpu.memory_space<vmem>>) target(%dma_start3A_333 : memref<10240x64xf32, #tpu.memory_space<vmem_shared>>) offsets(%dma_start3A_330 : memref<128xi32, #tpu.memory_space<vmem>>) semaphore(%run_scoped3A : memref<!tpu.dma_semaphore, #tpu.memory_space<semaphore_mem>>) {add = true}
        %dma_wait3A_334 = arith.constant 0 : i32
        %dma_wait3A_335 = tpu.memref_slice %arg8[%add3A_297, %dma_wait3A_334] : memref<80x128xi32, #tpu.memory_space<vmem>> -> memref<1x128xi32, #tpu.memory_space<vmem>>
        %dma_wait3A_336 = tpu.memref_squeeze %dma_wait3A_335 : memref<1x128xi32, #tpu.memory_space<vmem>> -> memref<128xi32, #tpu.memory_space<vmem>>
        %dma_wait3A_337 = arith.constant 0 : i32
        %dma_wait3A_338 = arith.constant 0 : i32
        %dma_wait3A_339 = tpu.memref_slice %arg12[%dma_wait3A_337, %dma_wait3A_338] : memref<10240x64xf32, #tpu.memory_space<vmem_shared>> -> memref<10240x64xf32, #tpu.memory_space<vmem_shared>>
        tpu.wait_indirect_dma semaphore(%run_scoped3A : memref<!tpu.dma_semaphore, #tpu.memory_space<semaphore_mem>>) src(%arg9 : memref<128x64xf32, #tpu.memory_space<vmem>>) dst(%dma_wait3A_339 : memref<10240x64xf32, #tpu.memory_space<vmem_shared>>)
        tpu.yield
      }) : () -> ()
      %add3A_304 = arith.constant 2 : i32
      %add3A_305 = arith.addi %add3A_297, %add3A_304 : i32
      %dma_start3A_306 = arith.constant 0 : i32
      %dma_start3A_307 = tpu.memref_slice %arg7[%add3A_305, %dma_start3A_306] : memref<82x128xi32, #tpu.memory_space<vmem>> -> memref<1x128xi32, #tpu.memory_space<vmem>>
      %dma_start3A_308 = tpu.memref_squeeze %dma_start3A_307 : memref<1x128xi32, #tpu.memory_space<vmem>> -> memref<128xi32, #tpu.memory_space<vmem>>
      %dma_start3A_309 = arith.constant 0 : i32
      %dma_start3A_310 = arith.constant 0 : i32
      %dma_start3A_311 = tpu.memref_slice %arg11[%dma_start3A_309, %dma_start3A_310] : memref<10240x64xf32, #tpu.memory_space<vmem_shared>> -> memref<10240x64xf32, #tpu.memory_space<vmem_shared>>
      tpu.enqueue_indirect_dma source(%dma_start3A_311 : memref<10240x64xf32, #tpu.memory_space<vmem_shared>>) target(%arg9 : memref<128x64xf32, #tpu.memory_space<vmem>>) offsets(%dma_start3A_308 : memref<128xi32, #tpu.memory_space<vmem>>) semaphore(%arg13 : memref<!tpu.dma_semaphore, #tpu.memory_space<semaphore_mem>>)
      %add3A_312 = arith.constant 1 : i32
      %add3A_313 = arith.addi %mul3A_295, %add3A_312 : i32
      %dma_wait3A_314 = arith.constant 0 : i32
      %dma_wait3A_315 = tpu.memref_slice %arg7[%add3A_313, %dma_wait3A_314] : memref<82x128xi32, #tpu.memory_space<vmem>> -> memref<1x128xi32, #tpu.memory_space<vmem>>
      %dma_wait3A_316 = tpu.memref_squeeze %dma_wait3A_315 : memref<1x128xi32, #tpu.memory_space<vmem>> -> memref<128xi32, #tpu.memory_space<vmem>>
      %dma_wait3A_317 = arith.constant 0 : i32
      %dma_wait3A_318 = arith.constant 0 : i32
      %dma_wait3A_319 = tpu.memref_slice %arg11[%dma_wait3A_317, %dma_wait3A_318] : memref<10240x64xf32, #tpu.memory_space<vmem_shared>> -> memref<10240x64xf32, #tpu.memory_space<vmem_shared>>
      tpu.wait_indirect_dma semaphore(%arg14 : memref<!tpu.dma_semaphore, #tpu.memory_space<semaphore_mem>>) src(%dma_wait3A_319 : memref<10240x64xf32, #tpu.memory_space<vmem_shared>>) dst(%arg10 : memref<128x64xf32, #tpu.memory_space<vmem>>)
      "tpu.region"() ({
        %run_scoped3A = tpu.sem_alloc : memref<!tpu.dma_semaphore, #tpu.memory_space<semaphore_mem>>
        %dma_start3A_328 = arith.constant 0 : i32
        %dma_start3A_329 = tpu.memref_slice %arg8[%add3A_313, %dma_start3A_328] : memref<80x128xi32, #tpu.memory_space<vmem>> -> memref<1x128xi32, #tpu.memory_space<vmem>>
        %dma_start3A_330 = tpu.memref_squeeze %dma_start3A_329 : memref<1x128xi32, #tpu.memory_space<vmem>> -> memref<128xi32, #tpu.memory_space<vmem>>
        %dma_start3A_331 = arith.constant 0 : i32
        %dma_start3A_332 = arith.constant 0 : i32
        %dma_start3A_333 = tpu.memref_slice %arg12[%dma_start3A_331, %dma_start3A_332] : memref<10240x64xf32, #tpu.memory_space<vmem_shared>> -> memref<10240x64xf32, #tpu.memory_space<vmem_shared>>
        tpu.enqueue_indirect_dma source(%arg10 : memref<128x64xf32, #tpu.memory_space<vmem>>) target(%dma_start3A_333 : memref<10240x64xf32, #tpu.memory_space<vmem_shared>>) offsets(%dma_start3A_330 : memref<128xi32, #tpu.memory_space<vmem>>) semaphore(%run_scoped3A : memref<!tpu.dma_semaphore, #tpu.memory_space<semaphore_mem>>) {add = true}
        %dma_wait3A_334 = arith.constant 0 : i32
        %dma_wait3A_335 = tpu.memref_slice %arg8[%add3A_313, %dma_wait3A_334] : memref<80x128xi32, #tpu.memory_space<vmem>> -> memref<1x128xi32, #tpu.memory_space<vmem>>
        %dma_wait3A_336 = tpu.memref_squeeze %dma_wait3A_335 : memref<1x128xi32, #tpu.memory_space<vmem>> -> memref<128xi32, #tpu.memory_space<vmem>>
        %dma_wait3A_337 = arith.constant 0 : i32
        %dma_wait3A_338 = arith.constant 0 : i32
        %dma_wait3A_339 = tpu.memref_slice %arg12[%dma_wait3A_337, %dma_wait3A_338] : memref<10240x64xf32, #tpu.memory_space<vmem_shared>> -> memref<10240x64xf32, #tpu.memory_space<vmem_shared>>
        tpu.wait_indirect_dma semaphore(%run_scoped3A : memref<!tpu.dma_semaphore, #tpu.memory_space<semaphore_mem>>) src(%arg10 : memref<128x64xf32, #tpu.memory_space<vmem>>) dst(%dma_wait3A_339 : memref<10240x64xf32, #tpu.memory_space<vmem_shared>>)
        tpu.yield
      }) : () -> ()
      %add3A_320 = arith.constant 2 : i32
      %add3A_321 = arith.addi %add3A_313, %add3A_320 : i32
      %dma_start3A_322 = arith.constant 0 : i32
      %dma_start3A_323 = tpu.memref_slice %arg7[%add3A_321, %dma_start3A_322] : memref<82x128xi32, #tpu.memory_space<vmem>> -> memref<1x128xi32, #tpu.memory_space<vmem>>
      %dma_start3A_324 = tpu.memref_squeeze %dma_start3A_323 : memref<1x128xi32, #tpu.memory_space<vmem>> -> memref<128xi32, #tpu.memory_space<vmem>>
      %dma_start3A_325 = arith.constant 0 : i32
      %dma_start3A_326 = arith.constant 0 : i32
      %dma_start3A_327 = tpu.memref_slice %arg11[%dma_start3A_325, %dma_start3A_326] : memref<10240x64xf32, #tpu.memory_space<vmem_shared>> -> memref<10240x64xf32, #tpu.memory_space<vmem_shared>>
      tpu.enqueue_indirect_dma source(%dma_start3A_327 : memref<10240x64xf32, #tpu.memory_space<vmem_shared>>) target(%arg10 : memref<128x64xf32, #tpu.memory_space<vmem>>) offsets(%dma_start3A_324 : memref<128xi32, #tpu.memory_space<vmem>>) semaphore(%arg14 : memref<!tpu.dma_semaphore, #tpu.memory_space<semaphore_mem>>)
    }
    %scan3A_39 = arith.constant 40 : i32
    %dma_wait3A = arith.constant 0 : i32
    %dma_wait3A_40 = arith.constant 0 : i32
    %dma_wait3A_41 = tpu.memref_slice %arg7[%dma_wait3A, %dma_wait3A_40] : memref<82x128xi32, #tpu.memory_space<vmem>> -> memref<1x128xi32, #tpu.memory_space<vmem>>
    %dma_wait3A_42 = tpu.memref_squeeze %dma_wait3A_41 : memref<1x128xi32, #tpu.memory_space<vmem>> -> memref<128xi32, #tpu.memory_space<vmem>>
    %dma_wait3A_43 = arith.constant 0 : i32
    %dma_wait3A_44 = arith.constant 0 : i32
    %dma_wait3A_45 = tpu.memref_slice %arg11[%dma_wait3A_43, %dma_wait3A_44] : memref<10240x64xf32, #tpu.memory_space<vmem_shared>> -> memref<10240x64xf32, #tpu.memory_space<vmem_shared>>
    tpu.wait_indirect_dma semaphore(%arg13 : memref<!tpu.dma_semaphore, #tpu.memory_space<semaphore_mem>>) src(%dma_wait3A_45 : memref<10240x64xf32, #tpu.memory_space<vmem_shared>>) dst(%arg9 : memref<128x64xf32, #tpu.memory_space<vmem>>)
    %dma_wait3A_46 = arith.constant 0 : i32
    %dma_wait3A_47 = arith.constant 0 : i32
    %dma_wait3A_48 = tpu.memref_slice %arg7[%dma_wait3A_46, %dma_wait3A_47] : memref<82x128xi32, #tpu.memory_space<vmem>> -> memref<1x128xi32, #tpu.memory_space<vmem>>
    %dma_wait3A_49 = tpu.memref_squeeze %dma_wait3A_48 : memref<1x128xi32, #tpu.memory_space<vmem>> -> memref<128xi32, #tpu.memory_space<vmem>>
    %dma_wait3A_50 = arith.constant 0 : i32
    %dma_wait3A_51 = arith.constant 0 : i32
    %dma_wait3A_52 = tpu.memref_slice %arg11[%dma_wait3A_50, %dma_wait3A_51] : memref<10240x64xf32, #tpu.memory_space<vmem_shared>> -> memref<10240x64xf32, #tpu.memory_space<vmem_shared>>
    tpu.wait_indirect_dma semaphore(%arg14 : memref<!tpu.dma_semaphore, #tpu.memory_space<semaphore_mem>>) src(%dma_wait3A_52 : memref<10240x64xf32, #tpu.memory_space<vmem_shared>>) dst(%arg10 : memref<128x64xf32, #tpu.memory_space<vmem>>)
    %barrier3A_53 = arith.constant 0 : index
    tpu.barrier barrier_id(%barrier3A_53)
    "tpu.region"() ({
      %run_scoped3A = tpu.sem_alloc : memref<!tpu.dma_semaphore, #tpu.memory_space<semaphore_mem>>
      %dma_start3A_293 = arith.constant 0 : i32
      %dma_start3A_294 = tpu.memref_slice %arg11[%mul3A_0, %dma_start3A_293] : memref<10240x64xf32, #tpu.memory_space<vmem_shared>> -> memref<640x64xf32, #tpu.memory_space<vmem_shared>>
      tpu.enqueue_dma source(%arg5 : memref<640x64xf32, #tpu.memory_space<hbm>>) target(%dma_start3A_294 : memref<640x64xf32, #tpu.memory_space<vmem_shared>>) target_semaphore(%run_scoped3A : memref<!tpu.dma_semaphore, #tpu.memory_space<semaphore_mem>>)
      %dma_wait3A_295 = arith.constant 0 : i32
      %dma_wait3A_296 = tpu.memref_slice %arg11[%mul3A_0, %dma_wait3A_295] : memref<10240x64xf32, #tpu.memory_space<vmem_shared>> -> memref<640x64xf32, #tpu.memory_space<vmem_shared>>
      tpu.wait_dma2 semaphore(%run_scoped3A : memref<!tpu.dma_semaphore, #tpu.memory_space<semaphore_mem>>) src(%arg5 : memref<640x64xf32, #tpu.memory_space<hbm>>) dst(%dma_wait3A_296 : memref<640x64xf32, #tpu.memory_space<vmem_shared>>)
      tpu.yield
    }) : () -> ()
    %barrier3A_54 = arith.constant 0 : index
    tpu.barrier barrier_id(%barrier3A_54)
    %dma_start3A_55 = arith.constant 0 : i32
    %dma_start3A_56 = arith.constant 0 : i32
    %dma_start3A_57 = tpu.memref_slice %arg7[%dma_start3A_55, %dma_start3A_56] : memref<82x128xi32, #tpu.memory_space<vmem>> -> memref<1x128xi32, #tpu.memory_space<vmem>>
    %dma_start3A_58 = tpu.memref_squeeze %dma_start3A_57 : memref<1x128xi32, #tpu.memory_space<vmem>> -> memref<128xi32, #tpu.memory_space<vmem>>
    %dma_start3A_59 = arith.constant 0 : i32
    %dma_start3A_60 = arith.constant 0 : i32
    %dma_start3A_61 = tpu.memref_slice %arg12[%dma_start3A_59, %dma_start3A_60] : memref<10240x64xf32, #tpu.memory_space<vmem_shared>> -> memref<10240x64xf32, #tpu.memory_space<vmem_shared>>
    tpu.enqueue_indirect_dma source(%dma_start3A_61 : memref<10240x64xf32, #tpu.memory_space<vmem_shared>>) target(%arg9 : memref<128x64xf32, #tpu.memory_space<vmem>>) offsets(%dma_start3A_58 : memref<128xi32, #tpu.memory_space<vmem>>) semaphore(%arg13 : memref<!tpu.dma_semaphore, #tpu.memory_space<semaphore_mem>>)
    %dma_start3A_62 = arith.constant 1 : i32
    %dma_start3A_63 = arith.constant 0 : i32
    %dma_start3A_64 = tpu.memref_slice %arg7[%dma_start3A_62, %dma_start3A_63] : memref<82x128xi32, #tpu.memory_space<vmem>> -> memref<1x128xi32, #tpu.memory_space<vmem>>
    %dma_start3A_65 = tpu.memref_squeeze %dma_start3A_64 : memref<1x128xi32, #tpu.memory_space<vmem>> -> memref<128xi32, #tpu.memory_space<vmem>>
    %dma_start3A_66 = arith.constant 0 : i32
    %dma_start3A_67 = arith.constant 0 : i32
    %dma_start3A_68 = tpu.memref_slice %arg12[%dma_start3A_66, %dma_start3A_67] : memref<10240x64xf32, #tpu.memory_space<vmem_shared>> -> memref<10240x64xf32, #tpu.memory_space<vmem_shared>>
    tpu.enqueue_indirect_dma source(%dma_start3A_68 : memref<10240x64xf32, #tpu.memory_space<vmem_shared>>) target(%arg10 : memref<128x64xf32, #tpu.memory_space<vmem>>) offsets(%dma_start3A_65 : memref<128xi32, #tpu.memory_space<vmem>>) semaphore(%arg14 : memref<!tpu.dma_semaphore, #tpu.memory_space<semaphore_mem>>)
    %scan3A_69 = arith.constant 0 : i32
    %scan3A_70 = arith.constant 0 : i32
    %scan3A_71 = arith.constant 40 : i32
    %scan3A_72 = arith.addi %scan3A_70, %scan3A_71 : i32
    %scan3A_73 = arith.constant 1 : i32
    scf.for %scan3A_293 = %scan3A_70 to %scan3A_72 step %scan3A_73  : i32 {
      %mul3A_294 = arith.constant 2 : i32
      %mul3A_295 = arith.muli %scan3A_293, %mul3A_294 : i32
      %add3A_296 = arith.constant 0 : i32
      %add3A_297 = arith.addi %mul3A_295, %add3A_296 : i32
      %dma_wait3A_298 = arith.constant 0 : i32
      %dma_wait3A_299 = tpu.memref_slice %arg7[%add3A_297, %dma_wait3A_298] : memref<82x128xi32, #tpu.memory_space<vmem>> -> memref<1x128xi32, #tpu.memory_space<vmem>>
      %dma_wait3A_300 = tpu.memref_squeeze %dma_wait3A_299 : memref<1x128xi32, #tpu.memory_space<vmem>> -> memref<128xi32, #tpu.memory_space<vmem>>
      %dma_wait3A_301 = arith.constant 0 : i32
      %dma_wait3A_302 = arith.constant 0 : i32
      %dma_wait3A_303 = tpu.memref_slice %arg12[%dma_wait3A_301, %dma_wait3A_302] : memref<10240x64xf32, #tpu.memory_space<vmem_shared>> -> memref<10240x64xf32, #tpu.memory_space<vmem_shared>>
      tpu.wait_indirect_dma semaphore(%arg13 : memref<!tpu.dma_semaphore, #tpu.memory_space<semaphore_mem>>) src(%dma_wait3A_303 : memref<10240x64xf32, #tpu.memory_space<vmem_shared>>) dst(%arg9 : memref<128x64xf32, #tpu.memory_space<vmem>>)
      "tpu.region"() ({
        %run_scoped3A = tpu.sem_alloc : memref<!tpu.dma_semaphore, #tpu.memory_space<semaphore_mem>>
        %dma_start3A_328 = arith.constant 0 : i32
        %dma_start3A_329 = tpu.memref_slice %arg8[%add3A_297, %dma_start3A_328] : memref<80x128xi32, #tpu.memory_space<vmem>> -> memref<1x128xi32, #tpu.memory_space<vmem>>
        %dma_start3A_330 = tpu.memref_squeeze %dma_start3A_329 : memref<1x128xi32, #tpu.memory_space<vmem>> -> memref<128xi32, #tpu.memory_space<vmem>>
        %dma_start3A_331 = arith.constant 0 : i32
        %dma_start3A_332 = arith.constant 0 : i32
        %dma_start3A_333 = tpu.memref_slice %arg11[%dma_start3A_331, %dma_start3A_332] : memref<10240x64xf32, #tpu.memory_space<vmem_shared>> -> memref<10240x64xf32, #tpu.memory_space<vmem_shared>>
        tpu.enqueue_indirect_dma source(%arg9 : memref<128x64xf32, #tpu.memory_space<vmem>>) target(%dma_start3A_333 : memref<10240x64xf32, #tpu.memory_space<vmem_shared>>) offsets(%dma_start3A_330 : memref<128xi32, #tpu.memory_space<vmem>>) semaphore(%run_scoped3A : memref<!tpu.dma_semaphore, #tpu.memory_space<semaphore_mem>>) {add = true}
        %dma_wait3A_334 = arith.constant 0 : i32
        %dma_wait3A_335 = tpu.memref_slice %arg8[%add3A_297, %dma_wait3A_334] : memref<80x128xi32, #tpu.memory_space<vmem>> -> memref<1x128xi32, #tpu.memory_space<vmem>>
        %dma_wait3A_336 = tpu.memref_squeeze %dma_wait3A_335 : memref<1x128xi32, #tpu.memory_space<vmem>> -> memref<128xi32, #tpu.memory_space<vmem>>
        %dma_wait3A_337 = arith.constant 0 : i32
        %dma_wait3A_338 = arith.constant 0 : i32
        %dma_wait3A_339 = tpu.memref_slice %arg11[%dma_wait3A_337, %dma_wait3A_338] : memref<10240x64xf32, #tpu.memory_space<vmem_shared>> -> memref<10240x64xf32, #tpu.memory_space<vmem_shared>>
        tpu.wait_indirect_dma semaphore(%run_scoped3A : memref<!tpu.dma_semaphore, #tpu.memory_space<semaphore_mem>>) src(%arg9 : memref<128x64xf32, #tpu.memory_space<vmem>>) dst(%dma_wait3A_339 : memref<10240x64xf32, #tpu.memory_space<vmem_shared>>)
        tpu.yield
      }) : () -> ()
      %add3A_304 = arith.constant 2 : i32
      %add3A_305 = arith.addi %add3A_297, %add3A_304 : i32
      %dma_start3A_306 = arith.constant 0 : i32
      %dma_start3A_307 = tpu.memref_slice %arg7[%add3A_305, %dma_start3A_306] : memref<82x128xi32, #tpu.memory_space<vmem>> -> memref<1x128xi32, #tpu.memory_space<vmem>>
      %dma_start3A_308 = tpu.memref_squeeze %dma_start3A_307 : memref<1x128xi32, #tpu.memory_space<vmem>> -> memref<128xi32, #tpu.memory_space<vmem>>
      %dma_start3A_309 = arith.constant 0 : i32
      %dma_start3A_310 = arith.constant 0 : i32
      %dma_start3A_311 = tpu.memref_slice %arg12[%dma_start3A_309, %dma_start3A_310] : memref<10240x64xf32, #tpu.memory_space<vmem_shared>> -> memref<10240x64xf32, #tpu.memory_space<vmem_shared>>
      tpu.enqueue_indirect_dma source(%dma_start3A_311 : memref<10240x64xf32, #tpu.memory_space<vmem_shared>>) target(%arg9 : memref<128x64xf32, #tpu.memory_space<vmem>>) offsets(%dma_start3A_308 : memref<128xi32, #tpu.memory_space<vmem>>) semaphore(%arg13 : memref<!tpu.dma_semaphore, #tpu.memory_space<semaphore_mem>>)
      %add3A_312 = arith.constant 1 : i32
      %add3A_313 = arith.addi %mul3A_295, %add3A_312 : i32
      %dma_wait3A_314 = arith.constant 0 : i32
      %dma_wait3A_315 = tpu.memref_slice %arg7[%add3A_313, %dma_wait3A_314] : memref<82x128xi32, #tpu.memory_space<vmem>> -> memref<1x128xi32, #tpu.memory_space<vmem>>
      %dma_wait3A_316 = tpu.memref_squeeze %dma_wait3A_315 : memref<1x128xi32, #tpu.memory_space<vmem>> -> memref<128xi32, #tpu.memory_space<vmem>>
      %dma_wait3A_317 = arith.constant 0 : i32
      %dma_wait3A_318 = arith.constant 0 : i32
      %dma_wait3A_319 = tpu.memref_slice %arg12[%dma_wait3A_317, %dma_wait3A_318] : memref<10240x64xf32, #tpu.memory_space<vmem_shared>> -> memref<10240x64xf32, #tpu.memory_space<vmem_shared>>
      tpu.wait_indirect_dma semaphore(%arg14 : memref<!tpu.dma_semaphore, #tpu.memory_space<semaphore_mem>>) src(%dma_wait3A_319 : memref<10240x64xf32, #tpu.memory_space<vmem_shared>>) dst(%arg10 : memref<128x64xf32, #tpu.memory_space<vmem>>)
      "tpu.region"() ({
        %run_scoped3A = tpu.sem_alloc : memref<!tpu.dma_semaphore, #tpu.memory_space<semaphore_mem>>
        %dma_start3A_328 = arith.constant 0 : i32
        %dma_start3A_329 = tpu.memref_slice %arg8[%add3A_313, %dma_start3A_328] : memref<80x128xi32, #tpu.memory_space<vmem>> -> memref<1x128xi32, #tpu.memory_space<vmem>>
        %dma_start3A_330 = tpu.memref_squeeze %dma_start3A_329 : memref<1x128xi32, #tpu.memory_space<vmem>> -> memref<128xi32, #tpu.memory_space<vmem>>
        %dma_start3A_331 = arith.constant 0 : i32
        %dma_start3A_332 = arith.constant 0 : i32
        %dma_start3A_333 = tpu.memref_slice %arg11[%dma_start3A_331, %dma_start3A_332] : memref<10240x64xf32, #tpu.memory_space<vmem_shared>> -> memref<10240x64xf32, #tpu.memory_space<vmem_shared>>
        tpu.enqueue_indirect_dma source(%arg10 : memref<128x64xf32, #tpu.memory_space<vmem>>) target(%dma_start3A_333 : memref<10240x64xf32, #tpu.memory_space<vmem_shared>>) offsets(%dma_start3A_330 : memref<128xi32, #tpu.memory_space<vmem>>) semaphore(%run_scoped3A : memref<!tpu.dma_semaphore, #tpu.memory_space<semaphore_mem>>) {add = true}
        %dma_wait3A_334 = arith.constant 0 : i32
        %dma_wait3A_335 = tpu.memref_slice %arg8[%add3A_313, %dma_wait3A_334] : memref<80x128xi32, #tpu.memory_space<vmem>> -> memref<1x128xi32, #tpu.memory_space<vmem>>
        %dma_wait3A_336 = tpu.memref_squeeze %dma_wait3A_335 : memref<1x128xi32, #tpu.memory_space<vmem>> -> memref<128xi32, #tpu.memory_space<vmem>>
        %dma_wait3A_337 = arith.constant 0 : i32
        %dma_wait3A_338 = arith.constant 0 : i32
        %dma_wait3A_339 = tpu.memref_slice %arg11[%dma_wait3A_337, %dma_wait3A_338] : memref<10240x64xf32, #tpu.memory_space<vmem_shared>> -> memref<10240x64xf32, #tpu.memory_space<vmem_shared>>
        tpu.wait_indirect_dma semaphore(%run_scoped3A : memref<!tpu.dma_semaphore, #tpu.memory_space<semaphore_mem>>) src(%arg10 : memref<128x64xf32, #tpu.memory_space<vmem>>) dst(%dma_wait3A_339 : memref<10240x64xf32, #tpu.memory_space<vmem_shared>>)
        tpu.yield
      }) : () -> ()
      %add3A_320 = arith.constant 2 : i32
      %add3A_321 = arith.addi %add3A_313, %add3A_320 : i32
      %dma_start3A_322 = arith.constant 0 : i32
      %dma_start3A_323 = tpu.memref_slice %arg7[%add3A_321, %dma_start3A_322] : memref<82x128xi32, #tpu.memory_space<vmem>> -> memref<1x128xi32, #tpu.memory_space<vmem>>
      %dma_start3A_324 = tpu.memref_squeeze %dma_start3A_323 : memref<1x128xi32, #tpu.memory_space<vmem>> -> memref<128xi32, #tpu.memory_space<vmem>>
      %dma_start3A_325 = arith.constant 0 : i32
      %dma_start3A_326 = arith.constant 0 : i32
      %dma_start3A_327 = tpu.memref_slice %arg12[%dma_start3A_325, %dma_start3A_326] : memref<10240x64xf32, #tpu.memory_space<vmem_shared>> -> memref<10240x64xf32, #tpu.memory_space<vmem_shared>>
      tpu.enqueue_indirect_dma source(%dma_start3A_327 : memref<10240x64xf32, #tpu.memory_space<vmem_shared>>) target(%arg10 : memref<128x64xf32, #tpu.memory_space<vmem>>) offsets(%dma_start3A_324 : memref<128xi32, #tpu.memory_space<vmem>>) semaphore(%arg14 : memref<!tpu.dma_semaphore, #tpu.memory_space<semaphore_mem>>)
    }
    %scan3A_74 = arith.constant 40 : i32
    %dma_wait3A_75 = arith.constant 0 : i32
    %dma_wait3A_76 = arith.constant 0 : i32
    %dma_wait3A_77 = tpu.memref_slice %arg7[%dma_wait3A_75, %dma_wait3A_76] : memref<82x128xi32, #tpu.memory_space<vmem>> -> memref<1x128xi32, #tpu.memory_space<vmem>>
    %dma_wait3A_78 = tpu.memref_squeeze %dma_wait3A_77 : memref<1x128xi32, #tpu.memory_space<vmem>> -> memref<128xi32, #tpu.memory_space<vmem>>
    %dma_wait3A_79 = arith.constant 0 : i32
    %dma_wait3A_80 = arith.constant 0 : i32
    %dma_wait3A_81 = tpu.memref_slice %arg12[%dma_wait3A_79, %dma_wait3A_80] : memref<10240x64xf32, #tpu.memory_space<vmem_shared>> -> memref<10240x64xf32, #tpu.memory_space<vmem_shared>>
    tpu.wait_indirect_dma semaphore(%arg13 : memref<!tpu.dma_semaphore, #tpu.memory_space<semaphore_mem>>) src(%dma_wait3A_81 : memref<10240x64xf32, #tpu.memory_space<vmem_shared>>) dst(%arg9 : memref<128x64xf32, #tpu.memory_space<vmem>>)
    %dma_wait3A_82 = arith.constant 0 : i32
    %dma_wait3A_83 = arith.constant 0 : i32
    %dma_wait3A_84 = tpu.memref_slice %arg7[%dma_wait3A_82, %dma_wait3A_83] : memref<82x128xi32, #tpu.memory_space<vmem>> -> memref<1x128xi32, #tpu.memory_space<vmem>>
    %dma_wait3A_85 = tpu.memref_squeeze %dma_wait3A_84 : memref<1x128xi32, #tpu.memory_space<vmem>> -> memref<128xi32, #tpu.memory_space<vmem>>
    %dma_wait3A_86 = arith.constant 0 : i32
    %dma_wait3A_87 = arith.constant 0 : i32
    %dma_wait3A_88 = tpu.memref_slice %arg12[%dma_wait3A_86, %dma_wait3A_87] : memref<10240x64xf32, #tpu.memory_space<vmem_shared>> -> memref<10240x64xf32, #tpu.memory_space<vmem_shared>>
    tpu.wait_indirect_dma semaphore(%arg14 : memref<!tpu.dma_semaphore, #tpu.memory_space<semaphore_mem>>) src(%dma_wait3A_88 : memref<10240x64xf32, #tpu.memory_space<vmem_shared>>) dst(%arg10 : memref<128x64xf32, #tpu.memory_space<vmem>>)
    %barrier3A_89 = arith.constant 0 : index
    tpu.barrier barrier_id(%barrier3A_89)
    "tpu.region"() ({
      %run_scoped3A = tpu.sem_alloc : memref<!tpu.dma_semaphore, #tpu.memory_space<semaphore_mem>>
      %dma_start3A_293 = arith.constant 0 : i32
      %dma_start3A_294 = tpu.memref_slice %arg12[%mul3A_0, %dma_start3A_293] : memref<10240x64xf32, #tpu.memory_space<vmem_shared>> -> memref<640x64xf32, #tpu.memory_space<vmem_shared>>
      tpu.enqueue_dma source(%arg5 : memref<640x64xf32, #tpu.memory_space<hbm>>) target(%dma_start3A_294 : memref<640x64xf32, #tpu.memory_space<vmem_shared>>) target_semaphore(%run_scoped3A : memref<!tpu.dma_semaphore, #tpu.memory_space<semaphore_mem>>)
      %dma_wait3A_295 = arith.constant 0 : i32
      %dma_wait3A_296 = tpu.memref_slice %arg12[%mul3A_0, %dma_wait3A_295] : memref<10240x64xf32, #tpu.memory_space<vmem_shared>> -> memref<640x64xf32, #tpu.memory_space<vmem_shared>>
      tpu.wait_dma2 semaphore(%run_scoped3A : memref<!tpu.dma_semaphore, #tpu.memory_space<semaphore_mem>>) src(%arg5 : memref<640x64xf32, #tpu.memory_space<hbm>>) dst(%dma_wait3A_296 : memref<640x64xf32, #tpu.memory_space<vmem_shared>>)
      tpu.yield
    }) : () -> ()
    %barrier3A_90 = arith.constant 0 : index
    tpu.barrier barrier_id(%barrier3A_90)
    %dma_start3A_91 = arith.constant 0 : i32
    %dma_start3A_92 = arith.constant 0 : i32
    %dma_start3A_93 = tpu.memref_slice %arg7[%dma_start3A_91, %dma_start3A_92] : memref<82x128xi32, #tpu.memory_space<vmem>> -> memref<1x128xi32, #tpu.memory_space<vmem>>
    %dma_start3A_94 = tpu.memref_squeeze %dma_start3A_93 : memref<1x128xi32, #tpu.memory_space<vmem>> -> memref<128xi32, #tpu.memory_space<vmem>>
    %dma_start3A_95 = arith.constant 0 : i32
    %dma_start3A_96 = arith.constant 0 : i32
    %dma_start3A_97 = tpu.memref_slice %arg11[%dma_start3A_95, %dma_start3A_96] : memref<10240x64xf32, #tpu.memory_space<vmem_shared>> -> memref<10240x64xf32, #tpu.memory_space<vmem_shared>>
    tpu.enqueue_indirect_dma source(%dma_start3A_97 : memref<10240x64xf32, #tpu.memory_space<vmem_shared>>) target(%arg9 : memref<128x64xf32, #tpu.memory_space<vmem>>) offsets(%dma_start3A_94 : memref<128xi32, #tpu.memory_space<vmem>>) semaphore(%arg13 : memref<!tpu.dma_semaphore, #tpu.memory_space<semaphore_mem>>)
    %dma_start3A_98 = arith.constant 1 : i32
    %dma_start3A_99 = arith.constant 0 : i32
    %dma_start3A_100 = tpu.memref_slice %arg7[%dma_start3A_98, %dma_start3A_99] : memref<82x128xi32, #tpu.memory_space<vmem>> -> memref<1x128xi32, #tpu.memory_space<vmem>>
    %dma_start3A_101 = tpu.memref_squeeze %dma_start3A_100 : memref<1x128xi32, #tpu.memory_space<vmem>> -> memref<128xi32, #tpu.memory_space<vmem>>
    %dma_start3A_102 = arith.constant 0 : i32
    %dma_start3A_103 = arith.constant 0 : i32
    %dma_start3A_104 = tpu.memref_slice %arg11[%dma_start3A_102, %dma_start3A_103] : memref<10240x64xf32, #tpu.memory_space<vmem_shared>> -> memref<10240x64xf32, #tpu.memory_space<vmem_shared>>
    tpu.enqueue_indirect_dma source(%dma_start3A_104 : memref<10240x64xf32, #tpu.memory_space<vmem_shared>>) target(%arg10 : memref<128x64xf32, #tpu.memory_space<vmem>>) offsets(%dma_start3A_101 : memref<128xi32, #tpu.memory_space<vmem>>) semaphore(%arg14 : memref<!tpu.dma_semaphore, #tpu.memory_space<semaphore_mem>>)
    %scan3A_105 = arith.constant 0 : i32
    %scan3A_106 = arith.constant 0 : i32
    %scan3A_107 = arith.constant 40 : i32
    %scan3A_108 = arith.addi %scan3A_106, %scan3A_107 : i32
    %scan3A_109 = arith.constant 1 : i32
    scf.for %scan3A_293 = %scan3A_106 to %scan3A_108 step %scan3A_109  : i32 {
      %mul3A_294 = arith.constant 2 : i32
      %mul3A_295 = arith.muli %scan3A_293, %mul3A_294 : i32
      %add3A_296 = arith.constant 0 : i32
      %add3A_297 = arith.addi %mul3A_295, %add3A_296 : i32
      %dma_wait3A_298 = arith.constant 0 : i32
      %dma_wait3A_299 = tpu.memref_slice %arg7[%add3A_297, %dma_wait3A_298] : memref<82x128xi32, #tpu.memory_space<vmem>> -> memref<1x128xi32, #tpu.memory_space<vmem>>
      %dma_wait3A_300 = tpu.memref_squeeze %dma_wait3A_299 : memref<1x128xi32, #tpu.memory_space<vmem>> -> memref<128xi32, #tpu.memory_space<vmem>>
      %dma_wait3A_301 = arith.constant 0 : i32
      %dma_wait3A_302 = arith.constant 0 : i32
      %dma_wait3A_303 = tpu.memref_slice %arg11[%dma_wait3A_301, %dma_wait3A_302] : memref<10240x64xf32, #tpu.memory_space<vmem_shared>> -> memref<10240x64xf32, #tpu.memory_space<vmem_shared>>
      tpu.wait_indirect_dma semaphore(%arg13 : memref<!tpu.dma_semaphore, #tpu.memory_space<semaphore_mem>>) src(%dma_wait3A_303 : memref<10240x64xf32, #tpu.memory_space<vmem_shared>>) dst(%arg9 : memref<128x64xf32, #tpu.memory_space<vmem>>)
      "tpu.region"() ({
        %run_scoped3A = tpu.sem_alloc : memref<!tpu.dma_semaphore, #tpu.memory_space<semaphore_mem>>
        %dma_start3A_328 = arith.constant 0 : i32
        %dma_start3A_329 = tpu.memref_slice %arg8[%add3A_297, %dma_start3A_328] : memref<80x128xi32, #tpu.memory_space<vmem>> -> memref<1x128xi32, #tpu.memory_space<vmem>>
        %dma_start3A_330 = tpu.memref_squeeze %dma_start3A_329 : memref<1x128xi32, #tpu.memory_space<vmem>> -> memref<128xi32, #tpu.memory_space<vmem>>
        %dma_start3A_331 = arith.constant 0 : i32
        %dma_start3A_332 = arith.constant 0 : i32
        %dma_start3A_333 = tpu.memref_slice %arg12[%dma_start3A_331, %dma_start3A_332] : memref<10240x64xf32, #tpu.memory_space<vmem_shared>> -> memref<10240x64xf32, #tpu.memory_space<vmem_shared>>
        tpu.enqueue_indirect_dma source(%arg9 : memref<128x64xf32, #tpu.memory_space<vmem>>) target(%dma_start3A_333 : memref<10240x64xf32, #tpu.memory_space<vmem_shared>>) offsets(%dma_start3A_330 : memref<128xi32, #tpu.memory_space<vmem>>) semaphore(%run_scoped3A : memref<!tpu.dma_semaphore, #tpu.memory_space<semaphore_mem>>) {add = true}
        %dma_wait3A_334 = arith.constant 0 : i32
        %dma_wait3A_335 = tpu.memref_slice %arg8[%add3A_297, %dma_wait3A_334] : memref<80x128xi32, #tpu.memory_space<vmem>> -> memref<1x128xi32, #tpu.memory_space<vmem>>
        %dma_wait3A_336 = tpu.memref_squeeze %dma_wait3A_335 : memref<1x128xi32, #tpu.memory_space<vmem>> -> memref<128xi32, #tpu.memory_space<vmem>>
        %dma_wait3A_337 = arith.constant 0 : i32
        %dma_wait3A_338 = arith.constant 0 : i32
        %dma_wait3A_339 = tpu.memref_slice %arg12[%dma_wait3A_337, %dma_wait3A_338] : memref<10240x64xf32, #tpu.memory_space<vmem_shared>> -> memref<10240x64xf32, #tpu.memory_space<vmem_shared>>
        tpu.wait_indirect_dma semaphore(%run_scoped3A : memref<!tpu.dma_semaphore, #tpu.memory_space<semaphore_mem>>) src(%arg9 : memref<128x64xf32, #tpu.memory_space<vmem>>) dst(%dma_wait3A_339 : memref<10240x64xf32, #tpu.memory_space<vmem_shared>>)
        tpu.yield
      }) : () -> ()
      %add3A_304 = arith.constant 2 : i32
      %add3A_305 = arith.addi %add3A_297, %add3A_304 : i32
      %dma_start3A_306 = arith.constant 0 : i32
      %dma_start3A_307 = tpu.memref_slice %arg7[%add3A_305, %dma_start3A_306] : memref<82x128xi32, #tpu.memory_space<vmem>> -> memref<1x128xi32, #tpu.memory_space<vmem>>
      %dma_start3A_308 = tpu.memref_squeeze %dma_start3A_307 : memref<1x128xi32, #tpu.memory_space<vmem>> -> memref<128xi32, #tpu.memory_space<vmem>>
      %dma_start3A_309 = arith.constant 0 : i32
      %dma_start3A_310 = arith.constant 0 : i32
      %dma_start3A_311 = tpu.memref_slice %arg11[%dma_start3A_309, %dma_start3A_310] : memref<10240x64xf32, #tpu.memory_space<vmem_shared>> -> memref<10240x64xf32, #tpu.memory_space<vmem_shared>>
      tpu.enqueue_indirect_dma source(%dma_start3A_311 : memref<10240x64xf32, #tpu.memory_space<vmem_shared>>) target(%arg9 : memref<128x64xf32, #tpu.memory_space<vmem>>) offsets(%dma_start3A_308 : memref<128xi32, #tpu.memory_space<vmem>>) semaphore(%arg13 : memref<!tpu.dma_semaphore, #tpu.memory_space<semaphore_mem>>)
      %add3A_312 = arith.constant 1 : i32
      %add3A_313 = arith.addi %mul3A_295, %add3A_312 : i32
      %dma_wait3A_314 = arith.constant 0 : i32
      %dma_wait3A_315 = tpu.memref_slice %arg7[%add3A_313, %dma_wait3A_314] : memref<82x128xi32, #tpu.memory_space<vmem>> -> memref<1x128xi32, #tpu.memory_space<vmem>>
      %dma_wait3A_316 = tpu.memref_squeeze %dma_wait3A_315 : memref<1x128xi32, #tpu.memory_space<vmem>> -> memref<128xi32, #tpu.memory_space<vmem>>
      %dma_wait3A_317 = arith.constant 0 : i32
      %dma_wait3A_318 = arith.constant 0 : i32
      %dma_wait3A_319 = tpu.memref_slice %arg11[%dma_wait3A_317, %dma_wait3A_318] : memref<10240x64xf32, #tpu.memory_space<vmem_shared>> -> memref<10240x64xf32, #tpu.memory_space<vmem_shared>>
      tpu.wait_indirect_dma semaphore(%arg14 : memref<!tpu.dma_semaphore, #tpu.memory_space<semaphore_mem>>) src(%dma_wait3A_319 : memref<10240x64xf32, #tpu.memory_space<vmem_shared>>) dst(%arg10 : memref<128x64xf32, #tpu.memory_space<vmem>>)
      "tpu.region"() ({
        %run_scoped3A = tpu.sem_alloc : memref<!tpu.dma_semaphore, #tpu.memory_space<semaphore_mem>>
        %dma_start3A_328 = arith.constant 0 : i32
        %dma_start3A_329 = tpu.memref_slice %arg8[%add3A_313, %dma_start3A_328] : memref<80x128xi32, #tpu.memory_space<vmem>> -> memref<1x128xi32, #tpu.memory_space<vmem>>
        %dma_start3A_330 = tpu.memref_squeeze %dma_start3A_329 : memref<1x128xi32, #tpu.memory_space<vmem>> -> memref<128xi32, #tpu.memory_space<vmem>>
        %dma_start3A_331 = arith.constant 0 : i32
        %dma_start3A_332 = arith.constant 0 : i32
        %dma_start3A_333 = tpu.memref_slice %arg12[%dma_start3A_331, %dma_start3A_332] : memref<10240x64xf32, #tpu.memory_space<vmem_shared>> -> memref<10240x64xf32, #tpu.memory_space<vmem_shared>>
        tpu.enqueue_indirect_dma source(%arg10 : memref<128x64xf32, #tpu.memory_space<vmem>>) target(%dma_start3A_333 : memref<10240x64xf32, #tpu.memory_space<vmem_shared>>) offsets(%dma_start3A_330 : memref<128xi32, #tpu.memory_space<vmem>>) semaphore(%run_scoped3A : memref<!tpu.dma_semaphore, #tpu.memory_space<semaphore_mem>>) {add = true}
        %dma_wait3A_334 = arith.constant 0 : i32
        %dma_wait3A_335 = tpu.memref_slice %arg8[%add3A_313, %dma_wait3A_334] : memref<80x128xi32, #tpu.memory_space<vmem>> -> memref<1x128xi32, #tpu.memory_space<vmem>>
        %dma_wait3A_336 = tpu.memref_squeeze %dma_wait3A_335 : memref<1x128xi32, #tpu.memory_space<vmem>> -> memref<128xi32, #tpu.memory_space<vmem>>
        %dma_wait3A_337 = arith.constant 0 : i32
        %dma_wait3A_338 = arith.constant 0 : i32
        %dma_wait3A_339 = tpu.memref_slice %arg12[%dma_wait3A_337, %dma_wait3A_338] : memref<10240x64xf32, #tpu.memory_space<vmem_shared>> -> memref<10240x64xf32, #tpu.memory_space<vmem_shared>>
        tpu.wait_indirect_dma semaphore(%run_scoped3A : memref<!tpu.dma_semaphore, #tpu.memory_space<semaphore_mem>>) src(%arg10 : memref<128x64xf32, #tpu.memory_space<vmem>>) dst(%dma_wait3A_339 : memref<10240x64xf32, #tpu.memory_space<vmem_shared>>)
        tpu.yield
      }) : () -> ()
      %add3A_320 = arith.constant 2 : i32
      %add3A_321 = arith.addi %add3A_313, %add3A_320 : i32
      %dma_start3A_322 = arith.constant 0 : i32
      %dma_start3A_323 = tpu.memref_slice %arg7[%add3A_321, %dma_start3A_322] : memref<82x128xi32, #tpu.memory_space<vmem>> -> memref<1x128xi32, #tpu.memory_space<vmem>>
      %dma_start3A_324 = tpu.memref_squeeze %dma_start3A_323 : memref<1x128xi32, #tpu.memory_space<vmem>> -> memref<128xi32, #tpu.memory_space<vmem>>
      %dma_start3A_325 = arith.constant 0 : i32
      %dma_start3A_326 = arith.constant 0 : i32
      %dma_start3A_327 = tpu.memref_slice %arg11[%dma_start3A_325, %dma_start3A_326] : memref<10240x64xf32, #tpu.memory_space<vmem_shared>> -> memref<10240x64xf32, #tpu.memory_space<vmem_shared>>
      tpu.enqueue_indirect_dma source(%dma_start3A_327 : memref<10240x64xf32, #tpu.memory_space<vmem_shared>>) target(%arg10 : memref<128x64xf32, #tpu.memory_space<vmem>>) offsets(%dma_start3A_324 : memref<128xi32, #tpu.memory_space<vmem>>) semaphore(%arg14 : memref<!tpu.dma_semaphore, #tpu.memory_space<semaphore_mem>>)
    }
    %scan3A_110 = arith.constant 40 : i32
    %dma_wait3A_111 = arith.constant 0 : i32
    %dma_wait3A_112 = arith.constant 0 : i32
    %dma_wait3A_113 = tpu.memref_slice %arg7[%dma_wait3A_111, %dma_wait3A_112] : memref<82x128xi32, #tpu.memory_space<vmem>> -> memref<1x128xi32, #tpu.memory_space<vmem>>
    %dma_wait3A_114 = tpu.memref_squeeze %dma_wait3A_113 : memref<1x128xi32, #tpu.memory_space<vmem>> -> memref<128xi32, #tpu.memory_space<vmem>>
    %dma_wait3A_115 = arith.constant 0 : i32
    %dma_wait3A_116 = arith.constant 0 : i32
    %dma_wait3A_117 = tpu.memref_slice %arg11[%dma_wait3A_115, %dma_wait3A_116] : memref<10240x64xf32, #tpu.memory_space<vmem_shared>> -> memref<10240x64xf32, #tpu.memory_space<vmem_shared>>
    tpu.wait_indirect_dma semaphore(%arg13 : memref<!tpu.dma_semaphore, #tpu.memory_space<semaphore_mem>>) src(%dma_wait3A_117 : memref<10240x64xf32, #tpu.memory_space<vmem_shared>>) dst(%arg9 : memref<128x64xf32, #tpu.memory_space<vmem>>)
    %dma_wait3A_118 = arith.constant 0 : i32
    %dma_wait3A_119 = arith.constant 0 : i32
    %dma_wait3A_120 = tpu.memref_slice %arg7[%dma_wait3A_118, %dma_wait3A_119] : memref<82x128xi32, #tpu.memory_space<vmem>> -> memref<1x128xi32, #tpu.memory_space<vmem>>
    %dma_wait3A_121 = tpu.memref_squeeze %dma_wait3A_120 : memref<1x128xi32, #tpu.memory_space<vmem>> -> memref<128xi32, #tpu.memory_space<vmem>>
    %dma_wait3A_122 = arith.constant 0 : i32
    %dma_wait3A_123 = arith.constant 0 : i32
    %dma_wait3A_124 = tpu.memref_slice %arg11[%dma_wait3A_122, %dma_wait3A_123] : memref<10240x64xf32, #tpu.memory_space<vmem_shared>> -> memref<10240x64xf32, #tpu.memory_space<vmem_shared>>
    tpu.wait_indirect_dma semaphore(%arg14 : memref<!tpu.dma_semaphore, #tpu.memory_space<semaphore_mem>>) src(%dma_wait3A_124 : memref<10240x64xf32, #tpu.memory_space<vmem_shared>>) dst(%arg10 : memref<128x64xf32, #tpu.memory_space<vmem>>)
    %barrier3A_125 = arith.constant 0 : index
    tpu.barrier barrier_id(%barrier3A_125)
    %mul3A_126 = arith.constant 2 : i32
    %mul3A_127 = arith.muli %arg0, %mul3A_126 : i32
    %add3A_128 = arith.constant 1 : i32
    %add3A_129 = arith.addi %mul3A_127, %add3A_128 : i32
    %mul3A_130 = arith.constant 64 : i32
    %mul3A_131 = arith.muli %add3A_129, %mul3A_130 : i32
    %lt3A_132 = arith.constant 15 : i32
    %lt3A_133 = arith.cmpi slt, %arg1, %lt3A_132 : i32
    %convert_element_type3A_134 = arith.extui %lt3A_133 : i1 to i32
    %cond3A_135 = arith.constant 0 : i32
    %cond3A_136 = arith.cmpi ne, %convert_element_type3A_134, %cond3A_135 : i32
    scf.if %cond3A_136 {
      %mul3A_293 = arith.constant 640 : i32
      %mul3A_294 = arith.muli %arg1, %mul3A_293 : i32
      %dma_start3A_295 = arith.constant 0 : i32
      %dma_start3A_296 = tpu.memref_slice %arg11[%mul3A_0, %dma_start3A_295] : memref<10240x64xf32, #tpu.memory_space<vmem_shared>> -> memref<640x64xf32, #tpu.memory_space<vmem_shared>>
      %dma_start3A_297 = tpu.memref_slice %arg2[%mul3A_294, %mul3A_131] : memref<10000x256xf32, #tpu.memory_space<hbm>> -> memref<640x64xf32, #tpu.memory_space<hbm>>
      tpu.enqueue_dma source(%dma_start3A_297 : memref<640x64xf32, #tpu.memory_space<hbm>>) target(%dma_start3A_296 : memref<640x64xf32, #tpu.memory_space<vmem_shared>>) target_semaphore(%arg13 : memref<!tpu.dma_semaphore, #tpu.memory_space<semaphore_mem>>)
    } else {
    }
    %eq3A_137 = arith.constant 15 : i32
    %eq3A_138 = arith.cmpi eq, %arg1, %eq3A_137 : i32
    %convert_element_type3A_139 = arith.extui %eq3A_138 : i1 to i32
    %cond3A_140 = arith.constant 0 : i32
    %cond3A_141 = arith.cmpi ne, %convert_element_type3A_139, %cond3A_140 : i32
    scf.if %cond3A_141 {
      %dma_start3A_293 = arith.constant 9600 : i32
      %dma_start3A_294 = arith.constant 0 : i32
      %dma_start3A_295 = tpu.memref_slice %arg11[%dma_start3A_293, %dma_start3A_294] : memref<10240x64xf32, #tpu.memory_space<vmem_shared>> -> memref<400x64xf32, #tpu.memory_space<vmem_shared>>
      %dma_start3A_296 = arith.constant 9600 : i32
      %dma_start3A_297 = tpu.memref_slice %arg2[%dma_start3A_296, %mul3A_131] : memref<10000x256xf32, #tpu.memory_space<hbm>> -> memref<400x64xf32, #tpu.memory_space<hbm>>
      tpu.enqueue_dma source(%dma_start3A_297 : memref<400x64xf32, #tpu.memory_space<hbm>>) target(%dma_start3A_295 : memref<400x64xf32, #tpu.memory_space<vmem_shared>>) target_semaphore(%arg13 : memref<!tpu.dma_semaphore, #tpu.memory_space<semaphore_mem>>)
    } else {
    }
    %mul3A_142 = arith.constant 2 : i32
    %mul3A_143 = arith.muli %arg0, %mul3A_142 : i32
    %add3A_144 = arith.constant 0 : i32
    %add3A_145 = arith.addi %mul3A_143, %add3A_144 : i32
    %mul3A_146 = arith.constant 64 : i32
    %mul3A_147 = arith.muli %add3A_145, %mul3A_146 : i32
    %lt3A_148 = arith.constant 15 : i32
    %lt3A_149 = arith.cmpi slt, %arg1, %lt3A_148 : i32
    %convert_element_type3A_150 = arith.extui %lt3A_149 : i1 to i32
    %cond3A_151 = arith.constant 0 : i32
    %cond3A_152 = arith.cmpi ne, %convert_element_type3A_150, %cond3A_151 : i32
    scf.if %cond3A_152 {
      %mul3A_293 = arith.constant 640 : i32
      %mul3A_294 = arith.muli %arg1, %mul3A_293 : i32
      "tpu.region"() ({
        %run_scoped3A = tpu.sem_alloc : memref<!tpu.dma_semaphore, #tpu.memory_space<semaphore_mem>>
        %dma_start3A_295 = tpu.memref_slice %arg6[%mul3A_294, %mul3A_147] : memref<10000x256xf32, #tpu.memory_space<hbm>> -> memref<640x64xf32, #tpu.memory_space<hbm>>
        %dma_start3A_296 = arith.constant 0 : i32
        %dma_start3A_297 = tpu.memref_slice %arg12[%mul3A_0, %dma_start3A_296] : memref<10240x64xf32, #tpu.memory_space<vmem_shared>> -> memref<640x64xf32, #tpu.memory_space<vmem_shared>>
        tpu.enqueue_dma source(%dma_start3A_297 : memref<640x64xf32, #tpu.memory_space<vmem_shared>>) target(%dma_start3A_295 : memref<640x64xf32, #tpu.memory_space<hbm>>) target_semaphore(%run_scoped3A : memref<!tpu.dma_semaphore, #tpu.memory_space<semaphore_mem>>)
        %dma_wait3A_298 = tpu.memref_slice %arg6[%mul3A_294, %mul3A_147] : memref<10000x256xf32, #tpu.memory_space<hbm>> -> memref<640x64xf32, #tpu.memory_space<hbm>>
        %dma_wait3A_299 = arith.constant 0 : i32
        %dma_wait3A_300 = tpu.memref_slice %arg12[%mul3A_0, %dma_wait3A_299] : memref<10240x64xf32, #tpu.memory_space<vmem_shared>> -> memref<640x64xf32, #tpu.memory_space<vmem_shared>>
        tpu.wait_dma2 semaphore(%run_scoped3A : memref<!tpu.dma_semaphore, #tpu.memory_space<semaphore_mem>>) src(%dma_wait3A_300 : memref<640x64xf32, #tpu.memory_space<vmem_shared>>) dst(%dma_wait3A_298 : memref<640x64xf32, #tpu.memory_space<hbm>>)
        tpu.yield
      }) : () -> ()
    } else {
    }
    %eq3A_153 = arith.constant 15 : i32
    %eq3A_154 = arith.cmpi eq, %arg1, %eq3A_153 : i32
    %convert_element_type3A_155 = arith.extui %eq3A_154 : i1 to i32
    %cond3A_156 = arith.constant 0 : i32
    %cond3A_157 = arith.cmpi ne, %convert_element_type3A_155, %cond3A_156 : i32
    scf.if %cond3A_157 {
      "tpu.region"() ({
        %run_scoped3A = tpu.sem_alloc : memref<!tpu.dma_semaphore, #tpu.memory_space<semaphore_mem>>
        %dma_start3A_293 = arith.constant 9600 : i32
        %dma_start3A_294 = tpu.memref_slice %arg6[%dma_start3A_293, %mul3A_147] : memref<10000x256xf32, #tpu.memory_space<hbm>> -> memref<400x64xf32, #tpu.memory_space<hbm>>
        %dma_start3A_295 = arith.constant 9600 : i32
        %dma_start3A_296 = arith.constant 0 : i32
        %dma_start3A_297 = tpu.memref_slice %arg12[%dma_start3A_295, %dma_start3A_296] : memref<10240x64xf32, #tpu.memory_space<vmem_shared>> -> memref<400x64xf32, #tpu.memory_space<vmem_shared>>
        tpu.enqueue_dma source(%dma_start3A_297 : memref<400x64xf32, #tpu.memory_space<vmem_shared>>) target(%dma_start3A_294 : memref<400x64xf32, #tpu.memory_space<hbm>>) target_semaphore(%run_scoped3A : memref<!tpu.dma_semaphore, #tpu.memory_space<semaphore_mem>>)
        %dma_wait3A_298 = arith.constant 9600 : i32
        %dma_wait3A_299 = tpu.memref_slice %arg6[%dma_wait3A_298, %mul3A_147] : memref<10000x256xf32, #tpu.memory_space<hbm>> -> memref<400x64xf32, #tpu.memory_space<hbm>>
        %dma_wait3A_300 = arith.constant 9600 : i32
        %dma_wait3A_301 = arith.constant 0 : i32
        %dma_wait3A_302 = tpu.memref_slice %arg12[%dma_wait3A_300, %dma_wait3A_301] : memref<10240x64xf32, #tpu.memory_space<vmem_shared>> -> memref<400x64xf32, #tpu.memory_space<vmem_shared>>
        tpu.wait_dma2 semaphore(%run_scoped3A : memref<!tpu.dma_semaphore, #tpu.memory_space<semaphore_mem>>) src(%dma_wait3A_302 : memref<400x64xf32, #tpu.memory_space<vmem_shared>>) dst(%dma_wait3A_299 : memref<400x64xf32, #tpu.memory_space<hbm>>)
        tpu.yield
      }) : () -> ()
    } else {
    }
    "tpu.region"() ({
      %run_scoped3A = tpu.sem_alloc : memref<!tpu.dma_semaphore, #tpu.memory_space<semaphore_mem>>
      %dma_start3A_293 = arith.constant 0 : i32
      %dma_start3A_294 = tpu.memref_slice %arg12[%mul3A_0, %dma_start3A_293] : memref<10240x64xf32, #tpu.memory_space<vmem_shared>> -> memref<640x64xf32, #tpu.memory_space<vmem_shared>>
      tpu.enqueue_dma source(%arg5 : memref<640x64xf32, #tpu.memory_space<hbm>>) target(%dma_start3A_294 : memref<640x64xf32, #tpu.memory_space<vmem_shared>>) target_semaphore(%run_scoped3A : memref<!tpu.dma_semaphore, #tpu.memory_space<semaphore_mem>>)
      %dma_wait3A_295 = arith.constant 0 : i32
      %dma_wait3A_296 = tpu.memref_slice %arg12[%mul3A_0, %dma_wait3A_295] : memref<10240x64xf32, #tpu.memory_space<vmem_shared>> -> memref<640x64xf32, #tpu.memory_space<vmem_shared>>
      tpu.wait_dma2 semaphore(%run_scoped3A : memref<!tpu.dma_semaphore, #tpu.memory_space<semaphore_mem>>) src(%arg5 : memref<640x64xf32, #tpu.memory_space<hbm>>) dst(%dma_wait3A_296 : memref<640x64xf32, #tpu.memory_space<vmem_shared>>)
      tpu.yield
    }) : () -> ()
    %lt3A_158 = arith.constant 15 : i32
    %lt3A_159 = arith.cmpi slt, %arg1, %lt3A_158 : i32
    %convert_element_type3A_160 = arith.extui %lt3A_159 : i1 to i32
    %cond3A_161 = arith.constant 0 : i32
    %cond3A_162 = arith.cmpi ne, %convert_element_type3A_160, %cond3A_161 : i32
    scf.if %cond3A_162 {
      %dma_wait3A_293 = arith.constant 0 : i32
      %dma_wait3A_294 = tpu.memref_slice %arg11[%mul3A_0, %dma_wait3A_293] : memref<10240x64xf32, #tpu.memory_space<vmem_shared>> -> memref<640x64xf32, #tpu.memory_space<vmem_shared>>
      tpu.wait_dma2 semaphore(%arg13 : memref<!tpu.dma_semaphore, #tpu.memory_space<semaphore_mem>>) src(%arg5 : memref<640x64xf32, #tpu.memory_space<hbm>>) dst(%dma_wait3A_294 : memref<640x64xf32, #tpu.memory_space<vmem_shared>>)
    } else {
    }
    %eq3A_163 = arith.constant 15 : i32
    %eq3A_164 = arith.cmpi eq, %arg1, %eq3A_163 : i32
    %convert_element_type3A_165 = arith.extui %eq3A_164 : i1 to i32
    %cond3A_166 = arith.constant 0 : i32
    %cond3A_167 = arith.cmpi ne, %convert_element_type3A_165, %cond3A_166 : i32
    scf.if %cond3A_167 {
      %dma_wait3A_293 = arith.constant 9600 : i32
      %dma_wait3A_294 = arith.constant 0 : i32
      %dma_wait3A_295 = tpu.memref_slice %arg11[%dma_wait3A_293, %dma_wait3A_294] : memref<10240x64xf32, #tpu.memory_space<vmem_shared>> -> memref<400x64xf32, #tpu.memory_space<vmem_shared>>
      %dma_wait3A_296 = arith.constant 0 : i32
      %dma_wait3A_297 = arith.constant 0 : i32
      %dma_wait3A_298 = tpu.memref_slice %arg5[%dma_wait3A_296, %dma_wait3A_297] : memref<640x64xf32, #tpu.memory_space<hbm>> -> memref<400x64xf32, #tpu.memory_space<hbm>>
      tpu.wait_dma2 semaphore(%arg13 : memref<!tpu.dma_semaphore, #tpu.memory_space<semaphore_mem>>) src(%dma_wait3A_298 : memref<400x64xf32, #tpu.memory_space<hbm>>) dst(%dma_wait3A_295 : memref<400x64xf32, #tpu.memory_space<vmem_shared>>)
    } else {
    }
    %barrier3A_168 = arith.constant 0 : index
    tpu.barrier barrier_id(%barrier3A_168)
    %dma_start3A_169 = arith.constant 0 : i32
    %dma_start3A_170 = arith.constant 0 : i32
    %dma_start3A_171 = tpu.memref_slice %arg7[%dma_start3A_169, %dma_start3A_170] : memref<82x128xi32, #tpu.memory_space<vmem>> -> memref<1x128xi32, #tpu.memory_space<vmem>>
    %dma_start3A_172 = tpu.memref_squeeze %dma_start3A_171 : memref<1x128xi32, #tpu.memory_space<vmem>> -> memref<128xi32, #tpu.memory_space<vmem>>
    %dma_start3A_173 = arith.constant 0 : i32
    %dma_start3A_174 = arith.constant 0 : i32
    %dma_start3A_175 = tpu.memref_slice %arg11[%dma_start3A_173, %dma_start3A_174] : memref<10240x64xf32, #tpu.memory_space<vmem_shared>> -> memref<10240x64xf32, #tpu.memory_space<vmem_shared>>
    tpu.enqueue_indirect_dma source(%dma_start3A_175 : memref<10240x64xf32, #tpu.memory_space<vmem_shared>>) target(%arg9 : memref<128x64xf32, #tpu.memory_space<vmem>>) offsets(%dma_start3A_172 : memref<128xi32, #tpu.memory_space<vmem>>) semaphore(%arg13 : memref<!tpu.dma_semaphore, #tpu.memory_space<semaphore_mem>>)
    %dma_start3A_176 = arith.constant 1 : i32
    %dma_start3A_177 = arith.constant 0 : i32
    %dma_start3A_178 = tpu.memref_slice %arg7[%dma_start3A_176, %dma_start3A_177] : memref<82x128xi32, #tpu.memory_space<vmem>> -> memref<1x128xi32, #tpu.memory_space<vmem>>
    %dma_start3A_179 = tpu.memref_squeeze %dma_start3A_178 : memref<1x128xi32, #tpu.memory_space<vmem>> -> memref<128xi32, #tpu.memory_space<vmem>>
    %dma_start3A_180 = arith.constant 0 : i32
    %dma_start3A_181 = arith.constant 0 : i32
    %dma_start3A_182 = tpu.memref_slice %arg11[%dma_start3A_180, %dma_start3A_181] : memref<10240x64xf32, #tpu.memory_space<vmem_shared>> -> memref<10240x64xf32, #tpu.memory_space<vmem_shared>>
    tpu.enqueue_indirect_dma source(%dma_start3A_182 : memref<10240x64xf32, #tpu.memory_space<vmem_shared>>) target(%arg10 : memref<128x64xf32, #tpu.memory_space<vmem>>) offsets(%dma_start3A_179 : memref<128xi32, #tpu.memory_space<vmem>>) semaphore(%arg14 : memref<!tpu.dma_semaphore, #tpu.memory_space<semaphore_mem>>)
    %scan3A_183 = arith.constant 0 : i32
    %scan3A_184 = arith.constant 0 : i32
    %scan3A_185 = arith.constant 40 : i32
    %scan3A_186 = arith.addi %scan3A_184, %scan3A_185 : i32
    %scan3A_187 = arith.constant 1 : i32
    scf.for %scan3A_293 = %scan3A_184 to %scan3A_186 step %scan3A_187  : i32 {
      %mul3A_294 = arith.constant 2 : i32
      %mul3A_295 = arith.muli %scan3A_293, %mul3A_294 : i32
      %add3A_296 = arith.constant 0 : i32
      %add3A_297 = arith.addi %mul3A_295, %add3A_296 : i32
      %dma_wait3A_298 = arith.constant 0 : i32
      %dma_wait3A_299 = tpu.memref_slice %arg7[%add3A_297, %dma_wait3A_298] : memref<82x128xi32, #tpu.memory_space<vmem>> -> memref<1x128xi32, #tpu.memory_space<vmem>>
      %dma_wait3A_300 = tpu.memref_squeeze %dma_wait3A_299 : memref<1x128xi32, #tpu.memory_space<vmem>> -> memref<128xi32, #tpu.memory_space<vmem>>
      %dma_wait3A_301 = arith.constant 0 : i32
      %dma_wait3A_302 = arith.constant 0 : i32
      %dma_wait3A_303 = tpu.memref_slice %arg11[%dma_wait3A_301, %dma_wait3A_302] : memref<10240x64xf32, #tpu.memory_space<vmem_shared>> -> memref<10240x64xf32, #tpu.memory_space<vmem_shared>>
      tpu.wait_indirect_dma semaphore(%arg13 : memref<!tpu.dma_semaphore, #tpu.memory_space<semaphore_mem>>) src(%dma_wait3A_303 : memref<10240x64xf32, #tpu.memory_space<vmem_shared>>) dst(%arg9 : memref<128x64xf32, #tpu.memory_space<vmem>>)
      "tpu.region"() ({
        %run_scoped3A = tpu.sem_alloc : memref<!tpu.dma_semaphore, #tpu.memory_space<semaphore_mem>>
        %dma_start3A_328 = arith.constant 0 : i32
        %dma_start3A_329 = tpu.memref_slice %arg8[%add3A_297, %dma_start3A_328] : memref<80x128xi32, #tpu.memory_space<vmem>> -> memref<1x128xi32, #tpu.memory_space<vmem>>
        %dma_start3A_330 = tpu.memref_squeeze %dma_start3A_329 : memref<1x128xi32, #tpu.memory_space<vmem>> -> memref<128xi32, #tpu.memory_space<vmem>>
        %dma_start3A_331 = arith.constant 0 : i32
        %dma_start3A_332 = arith.constant 0 : i32
        %dma_start3A_333 = tpu.memref_slice %arg12[%dma_start3A_331, %dma_start3A_332] : memref<10240x64xf32, #tpu.memory_space<vmem_shared>> -> memref<10240x64xf32, #tpu.memory_space<vmem_shared>>
        tpu.enqueue_indirect_dma source(%arg9 : memref<128x64xf32, #tpu.memory_space<vmem>>) target(%dma_start3A_333 : memref<10240x64xf32, #tpu.memory_space<vmem_shared>>) offsets(%dma_start3A_330 : memref<128xi32, #tpu.memory_space<vmem>>) semaphore(%run_scoped3A : memref<!tpu.dma_semaphore, #tpu.memory_space<semaphore_mem>>) {add = true}
        %dma_wait3A_334 = arith.constant 0 : i32
        %dma_wait3A_335 = tpu.memref_slice %arg8[%add3A_297, %dma_wait3A_334] : memref<80x128xi32, #tpu.memory_space<vmem>> -> memref<1x128xi32, #tpu.memory_space<vmem>>
        %dma_wait3A_336 = tpu.memref_squeeze %dma_wait3A_335 : memref<1x128xi32, #tpu.memory_space<vmem>> -> memref<128xi32, #tpu.memory_space<vmem>>
        %dma_wait3A_337 = arith.constant 0 : i32
        %dma_wait3A_338 = arith.constant 0 : i32
        %dma_wait3A_339 = tpu.memref_slice %arg12[%dma_wait3A_337, %dma_wait3A_338] : memref<10240x64xf32, #tpu.memory_space<vmem_shared>> -> memref<10240x64xf32, #tpu.memory_space<vmem_shared>>
        tpu.wait_indirect_dma semaphore(%run_scoped3A : memref<!tpu.dma_semaphore, #tpu.memory_space<semaphore_mem>>) src(%arg9 : memref<128x64xf32, #tpu.memory_space<vmem>>) dst(%dma_wait3A_339 : memref<10240x64xf32, #tpu.memory_space<vmem_shared>>)
        tpu.yield
      }) : () -> ()
      %add3A_304 = arith.constant 2 : i32
      %add3A_305 = arith.addi %add3A_297, %add3A_304 : i32
      %dma_start3A_306 = arith.constant 0 : i32
      %dma_start3A_307 = tpu.memref_slice %arg7[%add3A_305, %dma_start3A_306] : memref<82x128xi32, #tpu.memory_space<vmem>> -> memref<1x128xi32, #tpu.memory_space<vmem>>
      %dma_start3A_308 = tpu.memref_squeeze %dma_start3A_307 : memref<1x128xi32, #tpu.memory_space<vmem>> -> memref<128xi32, #tpu.memory_space<vmem>>
      %dma_start3A_309 = arith.constant 0 : i32
      %dma_start3A_310 = arith.constant 0 : i32
      %dma_start3A_311 = tpu.memref_slice %arg11[%dma_start3A_309, %dma_start3A_310] : memref<10240x64xf32, #tpu.memory_space<vmem_shared>> -> memref<10240x64xf32, #tpu.memory_space<vmem_shared>>
      tpu.enqueue_indirect_dma source(%dma_start3A_311 : memref<10240x64xf32, #tpu.memory_space<vmem_shared>>) target(%arg9 : memref<128x64xf32, #tpu.memory_space<vmem>>) offsets(%dma_start3A_308 : memref<128xi32, #tpu.memory_space<vmem>>) semaphore(%arg13 : memref<!tpu.dma_semaphore, #tpu.memory_space<semaphore_mem>>)
      %add3A_312 = arith.constant 1 : i32
      %add3A_313 = arith.addi %mul3A_295, %add3A_312 : i32
      %dma_wait3A_314 = arith.constant 0 : i32
      %dma_wait3A_315 = tpu.memref_slice %arg7[%add3A_313, %dma_wait3A_314] : memref<82x128xi32, #tpu.memory_space<vmem>> -> memref<1x128xi32, #tpu.memory_space<vmem>>
      %dma_wait3A_316 = tpu.memref_squeeze %dma_wait3A_315 : memref<1x128xi32, #tpu.memory_space<vmem>> -> memref<128xi32, #tpu.memory_space<vmem>>
      %dma_wait3A_317 = arith.constant 0 : i32
      %dma_wait3A_318 = arith.constant 0 : i32
      %dma_wait3A_319 = tpu.memref_slice %arg11[%dma_wait3A_317, %dma_wait3A_318] : memref<10240x64xf32, #tpu.memory_space<vmem_shared>> -> memref<10240x64xf32, #tpu.memory_space<vmem_shared>>
      tpu.wait_indirect_dma semaphore(%arg14 : memref<!tpu.dma_semaphore, #tpu.memory_space<semaphore_mem>>) src(%dma_wait3A_319 : memref<10240x64xf32, #tpu.memory_space<vmem_shared>>) dst(%arg10 : memref<128x64xf32, #tpu.memory_space<vmem>>)
      "tpu.region"() ({
        %run_scoped3A = tpu.sem_alloc : memref<!tpu.dma_semaphore, #tpu.memory_space<semaphore_mem>>
        %dma_start3A_328 = arith.constant 0 : i32
        %dma_start3A_329 = tpu.memref_slice %arg8[%add3A_313, %dma_start3A_328] : memref<80x128xi32, #tpu.memory_space<vmem>> -> memref<1x128xi32, #tpu.memory_space<vmem>>
        %dma_start3A_330 = tpu.memref_squeeze %dma_start3A_329 : memref<1x128xi32, #tpu.memory_space<vmem>> -> memref<128xi32, #tpu.memory_space<vmem>>
        %dma_start3A_331 = arith.constant 0 : i32
        %dma_start3A_332 = arith.constant 0 : i32
        %dma_start3A_333 = tpu.memref_slice %arg12[%dma_start3A_331, %dma_start3A_332] : memref<10240x64xf32, #tpu.memory_space<vmem_shared>> -> memref<10240x64xf32, #tpu.memory_space<vmem_shared>>
        tpu.enqueue_indirect_dma source(%arg10 : memref<128x64xf32, #tpu.memory_space<vmem>>) target(%dma_start3A_333 : memref<10240x64xf32, #tpu.memory_space<vmem_shared>>) offsets(%dma_start3A_330 : memref<128xi32, #tpu.memory_space<vmem>>) semaphore(%run_scoped3A : memref<!tpu.dma_semaphore, #tpu.memory_space<semaphore_mem>>) {add = true}
        %dma_wait3A_334 = arith.constant 0 : i32
        %dma_wait3A_335 = tpu.memref_slice %arg8[%add3A_313, %dma_wait3A_334] : memref<80x128xi32, #tpu.memory_space<vmem>> -> memref<1x128xi32, #tpu.memory_space<vmem>>
        %dma_wait3A_336 = tpu.memref_squeeze %dma_wait3A_335 : memref<1x128xi32, #tpu.memory_space<vmem>> -> memref<128xi32, #tpu.memory_space<vmem>>
        %dma_wait3A_337 = arith.constant 0 : i32
        %dma_wait3A_338 = arith.constant 0 : i32
        %dma_wait3A_339 = tpu.memref_slice %arg12[%dma_wait3A_337, %dma_wait3A_338] : memref<10240x64xf32, #tpu.memory_space<vmem_shared>> -> memref<10240x64xf32, #tpu.memory_space<vmem_shared>>
        tpu.wait_indirect_dma semaphore(%run_scoped3A : memref<!tpu.dma_semaphore, #tpu.memory_space<semaphore_mem>>) src(%arg10 : memref<128x64xf32, #tpu.memory_space<vmem>>) dst(%dma_wait3A_339 : memref<10240x64xf32, #tpu.memory_space<vmem_shared>>)
        tpu.yield
      }) : () -> ()
      %add3A_320 = arith.constant 2 : i32
      %add3A_321 = arith.addi %add3A_313, %add3A_320 : i32
      %dma_start3A_322 = arith.constant 0 : i32
      %dma_start3A_323 = tpu.memref_slice %arg7[%add3A_321, %dma_start3A_322] : memref<82x128xi32, #tpu.memory_space<vmem>> -> memref<1x128xi32, #tpu.memory_space<vmem>>
      %dma_start3A_324 = tpu.memref_squeeze %dma_start3A_323 : memref<1x128xi32, #tpu.memory_space<vmem>> -> memref<128xi32, #tpu.memory_space<vmem>>
      %dma_start3A_325 = arith.constant 0 : i32
      %dma_start3A_326 = arith.constant 0 : i32
      %dma_start3A_327 = tpu.memref_slice %arg11[%dma_start3A_325, %dma_start3A_326] : memref<10240x64xf32, #tpu.memory_space<vmem_shared>> -> memref<10240x64xf32, #tpu.memory_space<vmem_shared>>
      tpu.enqueue_indirect_dma source(%dma_start3A_327 : memref<10240x64xf32, #tpu.memory_space<vmem_shared>>) target(%arg10 : memref<128x64xf32, #tpu.memory_space<vmem>>) offsets(%dma_start3A_324 : memref<128xi32, #tpu.memory_space<vmem>>) semaphore(%arg14 : memref<!tpu.dma_semaphore, #tpu.memory_space<semaphore_mem>>)
    }
    %scan3A_188 = arith.constant 40 : i32
    %dma_wait3A_189 = arith.constant 0 : i32
    %dma_wait3A_190 = arith.constant 0 : i32
    %dma_wait3A_191 = tpu.memref_slice %arg7[%dma_wait3A_189, %dma_wait3A_190] : memref<82x128xi32, #tpu.memory_space<vmem>> -> memref<1x128xi32, #tpu.memory_space<vmem>>
    %dma_wait3A_192 = tpu.memref_squeeze %dma_wait3A_191 : memref<1x128xi32, #tpu.memory_space<vmem>> -> memref<128xi32, #tpu.memory_space<vmem>>
    %dma_wait3A_193 = arith.constant 0 : i32
    %dma_wait3A_194 = arith.constant 0 : i32
    %dma_wait3A_195 = tpu.memref_slice %arg11[%dma_wait3A_193, %dma_wait3A_194] : memref<10240x64xf32, #tpu.memory_space<vmem_shared>> -> memref<10240x64xf32, #tpu.memory_space<vmem_shared>>
    tpu.wait_indirect_dma semaphore(%arg13 : memref<!tpu.dma_semaphore, #tpu.memory_space<semaphore_mem>>) src(%dma_wait3A_195 : memref<10240x64xf32, #tpu.memory_space<vmem_shared>>) dst(%arg9 : memref<128x64xf32, #tpu.memory_space<vmem>>)
    %dma_wait3A_196 = arith.constant 0 : i32
    %dma_wait3A_197 = arith.constant 0 : i32
    %dma_wait3A_198 = tpu.memref_slice %arg7[%dma_wait3A_196, %dma_wait3A_197] : memref<82x128xi32, #tpu.memory_space<vmem>> -> memref<1x128xi32, #tpu.memory_space<vmem>>
    %dma_wait3A_199 = tpu.memref_squeeze %dma_wait3A_198 : memref<1x128xi32, #tpu.memory_space<vmem>> -> memref<128xi32, #tpu.memory_space<vmem>>
    %dma_wait3A_200 = arith.constant 0 : i32
    %dma_wait3A_201 = arith.constant 0 : i32
    %dma_wait3A_202 = tpu.memref_slice %arg11[%dma_wait3A_200, %dma_wait3A_201] : memref<10240x64xf32, #tpu.memory_space<vmem_shared>> -> memref<10240x64xf32, #tpu.memory_space<vmem_shared>>
    tpu.wait_indirect_dma semaphore(%arg14 : memref<!tpu.dma_semaphore, #tpu.memory_space<semaphore_mem>>) src(%dma_wait3A_202 : memref<10240x64xf32, #tpu.memory_space<vmem_shared>>) dst(%arg10 : memref<128x64xf32, #tpu.memory_space<vmem>>)
    %barrier3A_203 = arith.constant 0 : index
    tpu.barrier barrier_id(%barrier3A_203)
    "tpu.region"() ({
      %run_scoped3A = tpu.sem_alloc : memref<!tpu.dma_semaphore, #tpu.memory_space<semaphore_mem>>
      %dma_start3A_293 = arith.constant 0 : i32
      %dma_start3A_294 = tpu.memref_slice %arg11[%mul3A_0, %dma_start3A_293] : memref<10240x64xf32, #tpu.memory_space<vmem_shared>> -> memref<640x64xf32, #tpu.memory_space<vmem_shared>>
      tpu.enqueue_dma source(%arg5 : memref<640x64xf32, #tpu.memory_space<hbm>>) target(%dma_start3A_294 : memref<640x64xf32, #tpu.memory_space<vmem_shared>>) target_semaphore(%run_scoped3A : memref<!tpu.dma_semaphore, #tpu.memory_space<semaphore_mem>>)
      %dma_wait3A_295 = arith.constant 0 : i32
      %dma_wait3A_296 = tpu.memref_slice %arg11[%mul3A_0, %dma_wait3A_295] : memref<10240x64xf32, #tpu.memory_space<vmem_shared>> -> memref<640x64xf32, #tpu.memory_space<vmem_shared>>
      tpu.wait_dma2 semaphore(%run_scoped3A : memref<!tpu.dma_semaphore, #tpu.memory_space<semaphore_mem>>) src(%arg5 : memref<640x64xf32, #tpu.memory_space<hbm>>) dst(%dma_wait3A_296 : memref<640x64xf32, #tpu.memory_space<vmem_shared>>)
      tpu.yield
    }) : () -> ()
    %barrier3A_204 = arith.constant 0 : index
    tpu.barrier barrier_id(%barrier3A_204)
    %dma_start3A_205 = arith.constant 0 : i32
    %dma_start3A_206 = arith.constant 0 : i32
    %dma_start3A_207 = tpu.memref_slice %arg7[%dma_start3A_205, %dma_start3A_206] : memref<82x128xi32, #tpu.memory_space<vmem>> -> memref<1x128xi32, #tpu.memory_space<vmem>>
    %dma_start3A_208 = tpu.memref_squeeze %dma_start3A_207 : memref<1x128xi32, #tpu.memory_space<vmem>> -> memref<128xi32, #tpu.memory_space<vmem>>
    %dma_start3A_209 = arith.constant 0 : i32
    %dma_start3A_210 = arith.constant 0 : i32
    %dma_start3A_211 = tpu.memref_slice %arg12[%dma_start3A_209, %dma_start3A_210] : memref<10240x64xf32, #tpu.memory_space<vmem_shared>> -> memref<10240x64xf32, #tpu.memory_space<vmem_shared>>
    tpu.enqueue_indirect_dma source(%dma_start3A_211 : memref<10240x64xf32, #tpu.memory_space<vmem_shared>>) target(%arg9 : memref<128x64xf32, #tpu.memory_space<vmem>>) offsets(%dma_start3A_208 : memref<128xi32, #tpu.memory_space<vmem>>) semaphore(%arg13 : memref<!tpu.dma_semaphore, #tpu.memory_space<semaphore_mem>>)
    %dma_start3A_212 = arith.constant 1 : i32
    %dma_start3A_213 = arith.constant 0 : i32
    %dma_start3A_214 = tpu.memref_slice %arg7[%dma_start3A_212, %dma_start3A_213] : memref<82x128xi32, #tpu.memory_space<vmem>> -> memref<1x128xi32, #tpu.memory_space<vmem>>
    %dma_start3A_215 = tpu.memref_squeeze %dma_start3A_214 : memref<1x128xi32, #tpu.memory_space<vmem>> -> memref<128xi32, #tpu.memory_space<vmem>>
    %dma_start3A_216 = arith.constant 0 : i32
    %dma_start3A_217 = arith.constant 0 : i32
    %dma_start3A_218 = tpu.memref_slice %arg12[%dma_start3A_216, %dma_start3A_217] : memref<10240x64xf32, #tpu.memory_space<vmem_shared>> -> memref<10240x64xf32, #tpu.memory_space<vmem_shared>>
    tpu.enqueue_indirect_dma source(%dma_start3A_218 : memref<10240x64xf32, #tpu.memory_space<vmem_shared>>) target(%arg10 : memref<128x64xf32, #tpu.memory_space<vmem>>) offsets(%dma_start3A_215 : memref<128xi32, #tpu.memory_space<vmem>>) semaphore(%arg14 : memref<!tpu.dma_semaphore, #tpu.memory_space<semaphore_mem>>)
    %scan3A_219 = arith.constant 0 : i32
    %scan3A_220 = arith.constant 0 : i32
    %scan3A_221 = arith.constant 40 : i32
    %scan3A_222 = arith.addi %scan3A_220, %scan3A_221 : i32
    %scan3A_223 = arith.constant 1 : i32
    scf.for %scan3A_293 = %scan3A_220 to %scan3A_222 step %scan3A_223  : i32 {
      %mul3A_294 = arith.constant 2 : i32
      %mul3A_295 = arith.muli %scan3A_293, %mul3A_294 : i32
      %add3A_296 = arith.constant 0 : i32
      %add3A_297 = arith.addi %mul3A_295, %add3A_296 : i32
      %dma_wait3A_298 = arith.constant 0 : i32
      %dma_wait3A_299 = tpu.memref_slice %arg7[%add3A_297, %dma_wait3A_298] : memref<82x128xi32, #tpu.memory_space<vmem>> -> memref<1x128xi32, #tpu.memory_space<vmem>>
      %dma_wait3A_300 = tpu.memref_squeeze %dma_wait3A_299 : memref<1x128xi32, #tpu.memory_space<vmem>> -> memref<128xi32, #tpu.memory_space<vmem>>
      %dma_wait3A_301 = arith.constant 0 : i32
      %dma_wait3A_302 = arith.constant 0 : i32
      %dma_wait3A_303 = tpu.memref_slice %arg12[%dma_wait3A_301, %dma_wait3A_302] : memref<10240x64xf32, #tpu.memory_space<vmem_shared>> -> memref<10240x64xf32, #tpu.memory_space<vmem_shared>>
      tpu.wait_indirect_dma semaphore(%arg13 : memref<!tpu.dma_semaphore, #tpu.memory_space<semaphore_mem>>) src(%dma_wait3A_303 : memref<10240x64xf32, #tpu.memory_space<vmem_shared>>) dst(%arg9 : memref<128x64xf32, #tpu.memory_space<vmem>>)
      "tpu.region"() ({
        %run_scoped3A = tpu.sem_alloc : memref<!tpu.dma_semaphore, #tpu.memory_space<semaphore_mem>>
        %dma_start3A_328 = arith.constant 0 : i32
        %dma_start3A_329 = tpu.memref_slice %arg8[%add3A_297, %dma_start3A_328] : memref<80x128xi32, #tpu.memory_space<vmem>> -> memref<1x128xi32, #tpu.memory_space<vmem>>
        %dma_start3A_330 = tpu.memref_squeeze %dma_start3A_329 : memref<1x128xi32, #tpu.memory_space<vmem>> -> memref<128xi32, #tpu.memory_space<vmem>>
        %dma_start3A_331 = arith.constant 0 : i32
        %dma_start3A_332 = arith.constant 0 : i32
        %dma_start3A_333 = tpu.memref_slice %arg11[%dma_start3A_331, %dma_start3A_332] : memref<10240x64xf32, #tpu.memory_space<vmem_shared>> -> memref<10240x64xf32, #tpu.memory_space<vmem_shared>>
        tpu.enqueue_indirect_dma source(%arg9 : memref<128x64xf32, #tpu.memory_space<vmem>>) target(%dma_start3A_333 : memref<10240x64xf32, #tpu.memory_space<vmem_shared>>) offsets(%dma_start3A_330 : memref<128xi32, #tpu.memory_space<vmem>>) semaphore(%run_scoped3A : memref<!tpu.dma_semaphore, #tpu.memory_space<semaphore_mem>>) {add = true}
        %dma_wait3A_334 = arith.constant 0 : i32
        %dma_wait3A_335 = tpu.memref_slice %arg8[%add3A_297, %dma_wait3A_334] : memref<80x128xi32, #tpu.memory_space<vmem>> -> memref<1x128xi32, #tpu.memory_space<vmem>>
        %dma_wait3A_336 = tpu.memref_squeeze %dma_wait3A_335 : memref<1x128xi32, #tpu.memory_space<vmem>> -> memref<128xi32, #tpu.memory_space<vmem>>
        %dma_wait3A_337 = arith.constant 0 : i32
        %dma_wait3A_338 = arith.constant 0 : i32
        %dma_wait3A_339 = tpu.memref_slice %arg11[%dma_wait3A_337, %dma_wait3A_338] : memref<10240x64xf32, #tpu.memory_space<vmem_shared>> -> memref<10240x64xf32, #tpu.memory_space<vmem_shared>>
        tpu.wait_indirect_dma semaphore(%run_scoped3A : memref<!tpu.dma_semaphore, #tpu.memory_space<semaphore_mem>>) src(%arg9 : memref<128x64xf32, #tpu.memory_space<vmem>>) dst(%dma_wait3A_339 : memref<10240x64xf32, #tpu.memory_space<vmem_shared>>)
        tpu.yield
      }) : () -> ()
      %add3A_304 = arith.constant 2 : i32
      %add3A_305 = arith.addi %add3A_297, %add3A_304 : i32
      %dma_start3A_306 = arith.constant 0 : i32
      %dma_start3A_307 = tpu.memref_slice %arg7[%add3A_305, %dma_start3A_306] : memref<82x128xi32, #tpu.memory_space<vmem>> -> memref<1x128xi32, #tpu.memory_space<vmem>>
      %dma_start3A_308 = tpu.memref_squeeze %dma_start3A_307 : memref<1x128xi32, #tpu.memory_space<vmem>> -> memref<128xi32, #tpu.memory_space<vmem>>
      %dma_start3A_309 = arith.constant 0 : i32
      %dma_start3A_310 = arith.constant 0 : i32
      %dma_start3A_311 = tpu.memref_slice %arg12[%dma_start3A_309, %dma_start3A_310] : memref<10240x64xf32, #tpu.memory_space<vmem_shared>> -> memref<10240x64xf32, #tpu.memory_space<vmem_shared>>
      tpu.enqueue_indirect_dma source(%dma_start3A_311 : memref<10240x64xf32, #tpu.memory_space<vmem_shared>>) target(%arg9 : memref<128x64xf32, #tpu.memory_space<vmem>>) offsets(%dma_start3A_308 : memref<128xi32, #tpu.memory_space<vmem>>) semaphore(%arg13 : memref<!tpu.dma_semaphore, #tpu.memory_space<semaphore_mem>>)
      %add3A_312 = arith.constant 1 : i32
      %add3A_313 = arith.addi %mul3A_295, %add3A_312 : i32
      %dma_wait3A_314 = arith.constant 0 : i32
      %dma_wait3A_315 = tpu.memref_slice %arg7[%add3A_313, %dma_wait3A_314] : memref<82x128xi32, #tpu.memory_space<vmem>> -> memref<1x128xi32, #tpu.memory_space<vmem>>
      %dma_wait3A_316 = tpu.memref_squeeze %dma_wait3A_315 : memref<1x128xi32, #tpu.memory_space<vmem>> -> memref<128xi32, #tpu.memory_space<vmem>>
      %dma_wait3A_317 = arith.constant 0 : i32
      %dma_wait3A_318 = arith.constant 0 : i32
      %dma_wait3A_319 = tpu.memref_slice %arg12[%dma_wait3A_317, %dma_wait3A_318] : memref<10240x64xf32, #tpu.memory_space<vmem_shared>> -> memref<10240x64xf32, #tpu.memory_space<vmem_shared>>
      tpu.wait_indirect_dma semaphore(%arg14 : memref<!tpu.dma_semaphore, #tpu.memory_space<semaphore_mem>>) src(%dma_wait3A_319 : memref<10240x64xf32, #tpu.memory_space<vmem_shared>>) dst(%arg10 : memref<128x64xf32, #tpu.memory_space<vmem>>)
      "tpu.region"() ({
        %run_scoped3A = tpu.sem_alloc : memref<!tpu.dma_semaphore, #tpu.memory_space<semaphore_mem>>
        %dma_start3A_328 = arith.constant 0 : i32
        %dma_start3A_329 = tpu.memref_slice %arg8[%add3A_313, %dma_start3A_328] : memref<80x128xi32, #tpu.memory_space<vmem>> -> memref<1x128xi32, #tpu.memory_space<vmem>>
        %dma_start3A_330 = tpu.memref_squeeze %dma_start3A_329 : memref<1x128xi32, #tpu.memory_space<vmem>> -> memref<128xi32, #tpu.memory_space<vmem>>
        %dma_start3A_331 = arith.constant 0 : i32
        %dma_start3A_332 = arith.constant 0 : i32
        %dma_start3A_333 = tpu.memref_slice %arg11[%dma_start3A_331, %dma_start3A_332] : memref<10240x64xf32, #tpu.memory_space<vmem_shared>> -> memref<10240x64xf32, #tpu.memory_space<vmem_shared>>
        tpu.enqueue_indirect_dma source(%arg10 : memref<128x64xf32, #tpu.memory_space<vmem>>) target(%dma_start3A_333 : memref<10240x64xf32, #tpu.memory_space<vmem_shared>>) offsets(%dma_start3A_330 : memref<128xi32, #tpu.memory_space<vmem>>) semaphore(%run_scoped3A : memref<!tpu.dma_semaphore, #tpu.memory_space<semaphore_mem>>) {add = true}
        %dma_wait3A_334 = arith.constant 0 : i32
        %dma_wait3A_335 = tpu.memref_slice %arg8[%add3A_313, %dma_wait3A_334] : memref<80x128xi32, #tpu.memory_space<vmem>> -> memref<1x128xi32, #tpu.memory_space<vmem>>
        %dma_wait3A_336 = tpu.memref_squeeze %dma_wait3A_335 : memref<1x128xi32, #tpu.memory_space<vmem>> -> memref<128xi32, #tpu.memory_space<vmem>>
        %dma_wait3A_337 = arith.constant 0 : i32
        %dma_wait3A_338 = arith.constant 0 : i32
        %dma_wait3A_339 = tpu.memref_slice %arg11[%dma_wait3A_337, %dma_wait3A_338] : memref<10240x64xf32, #tpu.memory_space<vmem_shared>> -> memref<10240x64xf32, #tpu.memory_space<vmem_shared>>
        tpu.wait_indirect_dma semaphore(%run_scoped3A : memref<!tpu.dma_semaphore, #tpu.memory_space<semaphore_mem>>) src(%arg10 : memref<128x64xf32, #tpu.memory_space<vmem>>) dst(%dma_wait3A_339 : memref<10240x64xf32, #tpu.memory_space<vmem_shared>>)
        tpu.yield
      }) : () -> ()
      %add3A_320 = arith.constant 2 : i32
      %add3A_321 = arith.addi %add3A_313, %add3A_320 : i32
      %dma_start3A_322 = arith.constant 0 : i32
      %dma_start3A_323 = tpu.memref_slice %arg7[%add3A_321, %dma_start3A_322] : memref<82x128xi32, #tpu.memory_space<vmem>> -> memref<1x128xi32, #tpu.memory_space<vmem>>
      %dma_start3A_324 = tpu.memref_squeeze %dma_start3A_323 : memref<1x128xi32, #tpu.memory_space<vmem>> -> memref<128xi32, #tpu.memory_space<vmem>>
      %dma_start3A_325 = arith.constant 0 : i32
      %dma_start3A_326 = arith.constant 0 : i32
      %dma_start3A_327 = tpu.memref_slice %arg12[%dma_start3A_325, %dma_start3A_326] : memref<10240x64xf32, #tpu.memory_space<vmem_shared>> -> memref<10240x64xf32, #tpu.memory_space<vmem_shared>>
      tpu.enqueue_indirect_dma source(%dma_start3A_327 : memref<10240x64xf32, #tpu.memory_space<vmem_shared>>) target(%arg10 : memref<128x64xf32, #tpu.memory_space<vmem>>) offsets(%dma_start3A_324 : memref<128xi32, #tpu.memory_space<vmem>>) semaphore(%arg14 : memref<!tpu.dma_semaphore, #tpu.memory_space<semaphore_mem>>)
    }
    %scan3A_224 = arith.constant 40 : i32
    %dma_wait3A_225 = arith.constant 0 : i32
    %dma_wait3A_226 = arith.constant 0 : i32
    %dma_wait3A_227 = tpu.memref_slice %arg7[%dma_wait3A_225, %dma_wait3A_226] : memref<82x128xi32, #tpu.memory_space<vmem>> -> memref<1x128xi32, #tpu.memory_space<vmem>>
    %dma_wait3A_228 = tpu.memref_squeeze %dma_wait3A_227 : memref<1x128xi32, #tpu.memory_space<vmem>> -> memref<128xi32, #tpu.memory_space<vmem>>
    %dma_wait3A_229 = arith.constant 0 : i32
    %dma_wait3A_230 = arith.constant 0 : i32
    %dma_wait3A_231 = tpu.memref_slice %arg12[%dma_wait3A_229, %dma_wait3A_230] : memref<10240x64xf32, #tpu.memory_space<vmem_shared>> -> memref<10240x64xf32, #tpu.memory_space<vmem_shared>>
    tpu.wait_indirect_dma semaphore(%arg13 : memref<!tpu.dma_semaphore, #tpu.memory_space<semaphore_mem>>) src(%dma_wait3A_231 : memref<10240x64xf32, #tpu.memory_space<vmem_shared>>) dst(%arg9 : memref<128x64xf32, #tpu.memory_space<vmem>>)
    %dma_wait3A_232 = arith.constant 0 : i32
    %dma_wait3A_233 = arith.constant 0 : i32
    %dma_wait3A_234 = tpu.memref_slice %arg7[%dma_wait3A_232, %dma_wait3A_233] : memref<82x128xi32, #tpu.memory_space<vmem>> -> memref<1x128xi32, #tpu.memory_space<vmem>>
    %dma_wait3A_235 = tpu.memref_squeeze %dma_wait3A_234 : memref<1x128xi32, #tpu.memory_space<vmem>> -> memref<128xi32, #tpu.memory_space<vmem>>
    %dma_wait3A_236 = arith.constant 0 : i32
    %dma_wait3A_237 = arith.constant 0 : i32
    %dma_wait3A_238 = tpu.memref_slice %arg12[%dma_wait3A_236, %dma_wait3A_237] : memref<10240x64xf32, #tpu.memory_space<vmem_shared>> -> memref<10240x64xf32, #tpu.memory_space<vmem_shared>>
    tpu.wait_indirect_dma semaphore(%arg14 : memref<!tpu.dma_semaphore, #tpu.memory_space<semaphore_mem>>) src(%dma_wait3A_238 : memref<10240x64xf32, #tpu.memory_space<vmem_shared>>) dst(%arg10 : memref<128x64xf32, #tpu.memory_space<vmem>>)
    %barrier3A_239 = arith.constant 0 : index
    tpu.barrier barrier_id(%barrier3A_239)
    "tpu.region"() ({
      %run_scoped3A = tpu.sem_alloc : memref<!tpu.dma_semaphore, #tpu.memory_space<semaphore_mem>>
      %dma_start3A_293 = arith.constant 0 : i32
      %dma_start3A_294 = tpu.memref_slice %arg12[%mul3A_0, %dma_start3A_293] : memref<10240x64xf32, #tpu.memory_space<vmem_shared>> -> memref<640x64xf32, #tpu.memory_space<vmem_shared>>
      tpu.enqueue_dma source(%arg5 : memref<640x64xf32, #tpu.memory_space<hbm>>) target(%dma_start3A_294 : memref<640x64xf32, #tpu.memory_space<vmem_shared>>) target_semaphore(%run_scoped3A : memref<!tpu.dma_semaphore, #tpu.memory_space<semaphore_mem>>)
      %dma_wait3A_295 = arith.constant 0 : i32
      %dma_wait3A_296 = tpu.memref_slice %arg12[%mul3A_0, %dma_wait3A_295] : memref<10240x64xf32, #tpu.memory_space<vmem_shared>> -> memref<640x64xf32, #tpu.memory_space<vmem_shared>>
      tpu.wait_dma2 semaphore(%run_scoped3A : memref<!tpu.dma_semaphore, #tpu.memory_space<semaphore_mem>>) src(%arg5 : memref<640x64xf32, #tpu.memory_space<hbm>>) dst(%dma_wait3A_296 : memref<640x64xf32, #tpu.memory_space<vmem_shared>>)
      tpu.yield
    }) : () -> ()
    %barrier3A_240 = arith.constant 0 : index
    tpu.barrier barrier_id(%barrier3A_240)
    %dma_start3A_241 = arith.constant 0 : i32
    %dma_start3A_242 = arith.constant 0 : i32
    %dma_start3A_243 = tpu.memref_slice %arg7[%dma_start3A_241, %dma_start3A_242] : memref<82x128xi32, #tpu.memory_space<vmem>> -> memref<1x128xi32, #tpu.memory_space<vmem>>
    %dma_start3A_244 = tpu.memref_squeeze %dma_start3A_243 : memref<1x128xi32, #tpu.memory_space<vmem>> -> memref<128xi32, #tpu.memory_space<vmem>>
    %dma_start3A_245 = arith.constant 0 : i32
    %dma_start3A_246 = arith.constant 0 : i32
    %dma_start3A_247 = tpu.memref_slice %arg11[%dma_start3A_245, %dma_start3A_246] : memref<10240x64xf32, #tpu.memory_space<vmem_shared>> -> memref<10240x64xf32, #tpu.memory_space<vmem_shared>>
    tpu.enqueue_indirect_dma source(%dma_start3A_247 : memref<10240x64xf32, #tpu.memory_space<vmem_shared>>) target(%arg9 : memref<128x64xf32, #tpu.memory_space<vmem>>) offsets(%dma_start3A_244 : memref<128xi32, #tpu.memory_space<vmem>>) semaphore(%arg13 : memref<!tpu.dma_semaphore, #tpu.memory_space<semaphore_mem>>)
    %dma_start3A_248 = arith.constant 1 : i32
    %dma_start3A_249 = arith.constant 0 : i32
    %dma_start3A_250 = tpu.memref_slice %arg7[%dma_start3A_248, %dma_start3A_249] : memref<82x128xi32, #tpu.memory_space<vmem>> -> memref<1x128xi32, #tpu.memory_space<vmem>>
    %dma_start3A_251 = tpu.memref_squeeze %dma_start3A_250 : memref<1x128xi32, #tpu.memory_space<vmem>> -> memref<128xi32, #tpu.memory_space<vmem>>
    %dma_start3A_252 = arith.constant 0 : i32
    %dma_start3A_253 = arith.constant 0 : i32
    %dma_start3A_254 = tpu.memref_slice %arg11[%dma_start3A_252, %dma_start3A_253] : memref<10240x64xf32, #tpu.memory_space<vmem_shared>> -> memref<10240x64xf32, #tpu.memory_space<vmem_shared>>
    tpu.enqueue_indirect_dma source(%dma_start3A_254 : memref<10240x64xf32, #tpu.memory_space<vmem_shared>>) target(%arg10 : memref<128x64xf32, #tpu.memory_space<vmem>>) offsets(%dma_start3A_251 : memref<128xi32, #tpu.memory_space<vmem>>) semaphore(%arg14 : memref<!tpu.dma_semaphore, #tpu.memory_space<semaphore_mem>>)
    %scan3A_255 = arith.constant 0 : i32
    %scan3A_256 = arith.constant 0 : i32
    %scan3A_257 = arith.constant 40 : i32
    %scan3A_258 = arith.addi %scan3A_256, %scan3A_257 : i32
    %scan3A_259 = arith.constant 1 : i32
    scf.for %scan3A_293 = %scan3A_256 to %scan3A_258 step %scan3A_259  : i32 {
      %mul3A_294 = arith.constant 2 : i32
      %mul3A_295 = arith.muli %scan3A_293, %mul3A_294 : i32
      %add3A_296 = arith.constant 0 : i32
      %add3A_297 = arith.addi %mul3A_295, %add3A_296 : i32
      %dma_wait3A_298 = arith.constant 0 : i32
      %dma_wait3A_299 = tpu.memref_slice %arg7[%add3A_297, %dma_wait3A_298] : memref<82x128xi32, #tpu.memory_space<vmem>> -> memref<1x128xi32, #tpu.memory_space<vmem>>
      %dma_wait3A_300 = tpu.memref_squeeze %dma_wait3A_299 : memref<1x128xi32, #tpu.memory_space<vmem>> -> memref<128xi32, #tpu.memory_space<vmem>>
      %dma_wait3A_301 = arith.constant 0 : i32
      %dma_wait3A_302 = arith.constant 0 : i32
      %dma_wait3A_303 = tpu.memref_slice %arg11[%dma_wait3A_301, %dma_wait3A_302] : memref<10240x64xf32, #tpu.memory_space<vmem_shared>> -> memref<10240x64xf32, #tpu.memory_space<vmem_shared>>
      tpu.wait_indirect_dma semaphore(%arg13 : memref<!tpu.dma_semaphore, #tpu.memory_space<semaphore_mem>>) src(%dma_wait3A_303 : memref<10240x64xf32, #tpu.memory_space<vmem_shared>>) dst(%arg9 : memref<128x64xf32, #tpu.memory_space<vmem>>)
      "tpu.region"() ({
        %run_scoped3A = tpu.sem_alloc : memref<!tpu.dma_semaphore, #tpu.memory_space<semaphore_mem>>
        %dma_start3A_328 = arith.constant 0 : i32
        %dma_start3A_329 = tpu.memref_slice %arg8[%add3A_297, %dma_start3A_328] : memref<80x128xi32, #tpu.memory_space<vmem>> -> memref<1x128xi32, #tpu.memory_space<vmem>>
        %dma_start3A_330 = tpu.memref_squeeze %dma_start3A_329 : memref<1x128xi32, #tpu.memory_space<vmem>> -> memref<128xi32, #tpu.memory_space<vmem>>
        %dma_start3A_331 = arith.constant 0 : i32
        %dma_start3A_332 = arith.constant 0 : i32
        %dma_start3A_333 = tpu.memref_slice %arg12[%dma_start3A_331, %dma_start3A_332] : memref<10240x64xf32, #tpu.memory_space<vmem_shared>> -> memref<10240x64xf32, #tpu.memory_space<vmem_shared>>
        tpu.enqueue_indirect_dma source(%arg9 : memref<128x64xf32, #tpu.memory_space<vmem>>) target(%dma_start3A_333 : memref<10240x64xf32, #tpu.memory_space<vmem_shared>>) offsets(%dma_start3A_330 : memref<128xi32, #tpu.memory_space<vmem>>) semaphore(%run_scoped3A : memref<!tpu.dma_semaphore, #tpu.memory_space<semaphore_mem>>) {add = true}
        %dma_wait3A_334 = arith.constant 0 : i32
        %dma_wait3A_335 = tpu.memref_slice %arg8[%add3A_297, %dma_wait3A_334] : memref<80x128xi32, #tpu.memory_space<vmem>> -> memref<1x128xi32, #tpu.memory_space<vmem>>
        %dma_wait3A_336 = tpu.memref_squeeze %dma_wait3A_335 : memref<1x128xi32, #tpu.memory_space<vmem>> -> memref<128xi32, #tpu.memory_space<vmem>>
        %dma_wait3A_337 = arith.constant 0 : i32
        %dma_wait3A_338 = arith.constant 0 : i32
        %dma_wait3A_339 = tpu.memref_slice %arg12[%dma_wait3A_337, %dma_wait3A_338] : memref<10240x64xf32, #tpu.memory_space<vmem_shared>> -> memref<10240x64xf32, #tpu.memory_space<vmem_shared>>
        tpu.wait_indirect_dma semaphore(%run_scoped3A : memref<!tpu.dma_semaphore, #tpu.memory_space<semaphore_mem>>) src(%arg9 : memref<128x64xf32, #tpu.memory_space<vmem>>) dst(%dma_wait3A_339 : memref<10240x64xf32, #tpu.memory_space<vmem_shared>>)
        tpu.yield
      }) : () -> ()
      %add3A_304 = arith.constant 2 : i32
      %add3A_305 = arith.addi %add3A_297, %add3A_304 : i32
      %dma_start3A_306 = arith.constant 0 : i32
      %dma_start3A_307 = tpu.memref_slice %arg7[%add3A_305, %dma_start3A_306] : memref<82x128xi32, #tpu.memory_space<vmem>> -> memref<1x128xi32, #tpu.memory_space<vmem>>
      %dma_start3A_308 = tpu.memref_squeeze %dma_start3A_307 : memref<1x128xi32, #tpu.memory_space<vmem>> -> memref<128xi32, #tpu.memory_space<vmem>>
      %dma_start3A_309 = arith.constant 0 : i32
      %dma_start3A_310 = arith.constant 0 : i32
      %dma_start3A_311 = tpu.memref_slice %arg11[%dma_start3A_309, %dma_start3A_310] : memref<10240x64xf32, #tpu.memory_space<vmem_shared>> -> memref<10240x64xf32, #tpu.memory_space<vmem_shared>>
      tpu.enqueue_indirect_dma source(%dma_start3A_311 : memref<10240x64xf32, #tpu.memory_space<vmem_shared>>) target(%arg9 : memref<128x64xf32, #tpu.memory_space<vmem>>) offsets(%dma_start3A_308 : memref<128xi32, #tpu.memory_space<vmem>>) semaphore(%arg13 : memref<!tpu.dma_semaphore, #tpu.memory_space<semaphore_mem>>)
      %add3A_312 = arith.constant 1 : i32
      %add3A_313 = arith.addi %mul3A_295, %add3A_312 : i32
      %dma_wait3A_314 = arith.constant 0 : i32
      %dma_wait3A_315 = tpu.memref_slice %arg7[%add3A_313, %dma_wait3A_314] : memref<82x128xi32, #tpu.memory_space<vmem>> -> memref<1x128xi32, #tpu.memory_space<vmem>>
      %dma_wait3A_316 = tpu.memref_squeeze %dma_wait3A_315 : memref<1x128xi32, #tpu.memory_space<vmem>> -> memref<128xi32, #tpu.memory_space<vmem>>
      %dma_wait3A_317 = arith.constant 0 : i32
      %dma_wait3A_318 = arith.constant 0 : i32
      %dma_wait3A_319 = tpu.memref_slice %arg11[%dma_wait3A_317, %dma_wait3A_318] : memref<10240x64xf32, #tpu.memory_space<vmem_shared>> -> memref<10240x64xf32, #tpu.memory_space<vmem_shared>>
      tpu.wait_indirect_dma semaphore(%arg14 : memref<!tpu.dma_semaphore, #tpu.memory_space<semaphore_mem>>) src(%dma_wait3A_319 : memref<10240x64xf32, #tpu.memory_space<vmem_shared>>) dst(%arg10 : memref<128x64xf32, #tpu.memory_space<vmem>>)
      "tpu.region"() ({
        %run_scoped3A = tpu.sem_alloc : memref<!tpu.dma_semaphore, #tpu.memory_space<semaphore_mem>>
        %dma_start3A_328 = arith.constant 0 : i32
        %dma_start3A_329 = tpu.memref_slice %arg8[%add3A_313, %dma_start3A_328] : memref<80x128xi32, #tpu.memory_space<vmem>> -> memref<1x128xi32, #tpu.memory_space<vmem>>
        %dma_start3A_330 = tpu.memref_squeeze %dma_start3A_329 : memref<1x128xi32, #tpu.memory_space<vmem>> -> memref<128xi32, #tpu.memory_space<vmem>>
        %dma_start3A_331 = arith.constant 0 : i32
        %dma_start3A_332 = arith.constant 0 : i32
        %dma_start3A_333 = tpu.memref_slice %arg12[%dma_start3A_331, %dma_start3A_332] : memref<10240x64xf32, #tpu.memory_space<vmem_shared>> -> memref<10240x64xf32, #tpu.memory_space<vmem_shared>>
        tpu.enqueue_indirect_dma source(%arg10 : memref<128x64xf32, #tpu.memory_space<vmem>>) target(%dma_start3A_333 : memref<10240x64xf32, #tpu.memory_space<vmem_shared>>) offsets(%dma_start3A_330 : memref<128xi32, #tpu.memory_space<vmem>>) semaphore(%run_scoped3A : memref<!tpu.dma_semaphore, #tpu.memory_space<semaphore_mem>>) {add = true}
        %dma_wait3A_334 = arith.constant 0 : i32
        %dma_wait3A_335 = tpu.memref_slice %arg8[%add3A_313, %dma_wait3A_334] : memref<80x128xi32, #tpu.memory_space<vmem>> -> memref<1x128xi32, #tpu.memory_space<vmem>>
        %dma_wait3A_336 = tpu.memref_squeeze %dma_wait3A_335 : memref<1x128xi32, #tpu.memory_space<vmem>> -> memref<128xi32, #tpu.memory_space<vmem>>
        %dma_wait3A_337 = arith.constant 0 : i32
        %dma_wait3A_338 = arith.constant 0 : i32
        %dma_wait3A_339 = tpu.memref_slice %arg12[%dma_wait3A_337, %dma_wait3A_338] : memref<10240x64xf32, #tpu.memory_space<vmem_shared>> -> memref<10240x64xf32, #tpu.memory_space<vmem_shared>>
        tpu.wait_indirect_dma semaphore(%run_scoped3A : memref<!tpu.dma_semaphore, #tpu.memory_space<semaphore_mem>>) src(%arg10 : memref<128x64xf32, #tpu.memory_space<vmem>>) dst(%dma_wait3A_339 : memref<10240x64xf32, #tpu.memory_space<vmem_shared>>)
        tpu.yield
      }) : () -> ()
      %add3A_320 = arith.constant 2 : i32
      %add3A_321 = arith.addi %add3A_313, %add3A_320 : i32
      %dma_start3A_322 = arith.constant 0 : i32
      %dma_start3A_323 = tpu.memref_slice %arg7[%add3A_321, %dma_start3A_322] : memref<82x128xi32, #tpu.memory_space<vmem>> -> memref<1x128xi32, #tpu.memory_space<vmem>>
      %dma_start3A_324 = tpu.memref_squeeze %dma_start3A_323 : memref<1x128xi32, #tpu.memory_space<vmem>> -> memref<128xi32, #tpu.memory_space<vmem>>
      %dma_start3A_325 = arith.constant 0 : i32
      %dma_start3A_326 = arith.constant 0 : i32
      %dma_start3A_327 = tpu.memref_slice %arg11[%dma_start3A_325, %dma_start3A_326] : memref<10240x64xf32, #tpu.memory_space<vmem_shared>> -> memref<10240x64xf32, #tpu.memory_space<vmem_shared>>
      tpu.enqueue_indirect_dma source(%dma_start3A_327 : memref<10240x64xf32, #tpu.memory_space<vmem_shared>>) target(%arg10 : memref<128x64xf32, #tpu.memory_space<vmem>>) offsets(%dma_start3A_324 : memref<128xi32, #tpu.memory_space<vmem>>) semaphore(%arg14 : memref<!tpu.dma_semaphore, #tpu.memory_space<semaphore_mem>>)
    }
    %scan3A_260 = arith.constant 40 : i32
    %dma_wait3A_261 = arith.constant 0 : i32
    %dma_wait3A_262 = arith.constant 0 : i32
    %dma_wait3A_263 = tpu.memref_slice %arg7[%dma_wait3A_261, %dma_wait3A_262] : memref<82x128xi32, #tpu.memory_space<vmem>> -> memref<1x128xi32, #tpu.memory_space<vmem>>
    %dma_wait3A_264 = tpu.memref_squeeze %dma_wait3A_263 : memref<1x128xi32, #tpu.memory_space<vmem>> -> memref<128xi32, #tpu.memory_space<vmem>>
    %dma_wait3A_265 = arith.constant 0 : i32
    %dma_wait3A_266 = arith.constant 0 : i32
    %dma_wait3A_267 = tpu.memref_slice %arg11[%dma_wait3A_265, %dma_wait3A_266] : memref<10240x64xf32, #tpu.memory_space<vmem_shared>> -> memref<10240x64xf32, #tpu.memory_space<vmem_shared>>
    tpu.wait_indirect_dma semaphore(%arg13 : memref<!tpu.dma_semaphore, #tpu.memory_space<semaphore_mem>>) src(%dma_wait3A_267 : memref<10240x64xf32, #tpu.memory_space<vmem_shared>>) dst(%arg9 : memref<128x64xf32, #tpu.memory_space<vmem>>)
    %dma_wait3A_268 = arith.constant 0 : i32
    %dma_wait3A_269 = arith.constant 0 : i32
    %dma_wait3A_270 = tpu.memref_slice %arg7[%dma_wait3A_268, %dma_wait3A_269] : memref<82x128xi32, #tpu.memory_space<vmem>> -> memref<1x128xi32, #tpu.memory_space<vmem>>
    %dma_wait3A_271 = tpu.memref_squeeze %dma_wait3A_270 : memref<1x128xi32, #tpu.memory_space<vmem>> -> memref<128xi32, #tpu.memory_space<vmem>>
    %dma_wait3A_272 = arith.constant 0 : i32
    %dma_wait3A_273 = arith.constant 0 : i32
    %dma_wait3A_274 = tpu.memref_slice %arg11[%dma_wait3A_272, %dma_wait3A_273] : memref<10240x64xf32, #tpu.memory_space<vmem_shared>> -> memref<10240x64xf32, #tpu.memory_space<vmem_shared>>
    tpu.wait_indirect_dma semaphore(%arg14 : memref<!tpu.dma_semaphore, #tpu.memory_space<semaphore_mem>>) src(%dma_wait3A_274 : memref<10240x64xf32, #tpu.memory_space<vmem_shared>>) dst(%arg10 : memref<128x64xf32, #tpu.memory_space<vmem>>)
    %barrier3A_275 = arith.constant 0 : index
    tpu.barrier barrier_id(%barrier3A_275)
    %mul3A_276 = arith.constant 2 : i32
    %mul3A_277 = arith.muli %arg0, %mul3A_276 : i32
    %add3A_278 = arith.constant 1 : i32
    %add3A_279 = arith.addi %mul3A_277, %add3A_278 : i32
    %mul3A_280 = arith.constant 64 : i32
    %mul3A_281 = arith.muli %add3A_279, %mul3A_280 : i32
    %lt3A_282 = arith.constant 15 : i32
    %lt3A_283 = arith.cmpi slt, %arg1, %lt3A_282 : i32
    %convert_element_type3A_284 = arith.extui %lt3A_283 : i1 to i32
    %cond3A_285 = arith.constant 0 : i32
    %cond3A_286 = arith.cmpi ne, %convert_element_type3A_284, %cond3A_285 : i32
    scf.if %cond3A_286 {
      %mul3A_293 = arith.constant 640 : i32
      %mul3A_294 = arith.muli %arg1, %mul3A_293 : i32
      "tpu.region"() ({
        %run_scoped3A = tpu.sem_alloc : memref<!tpu.dma_semaphore, #tpu.memory_space<semaphore_mem>>
        %dma_start3A_295 = tpu.memref_slice %arg6[%mul3A_294, %mul3A_281] : memref<10000x256xf32, #tpu.memory_space<hbm>> -> memref<640x64xf32, #tpu.memory_space<hbm>>
        %dma_start3A_296 = arith.constant 0 : i32
        %dma_start3A_297 = tpu.memref_slice %arg12[%mul3A_0, %dma_start3A_296] : memref<10240x64xf32, #tpu.memory_space<vmem_shared>> -> memref<640x64xf32, #tpu.memory_space<vmem_shared>>
        tpu.enqueue_dma source(%dma_start3A_297 : memref<640x64xf32, #tpu.memory_space<vmem_shared>>) target(%dma_start3A_295 : memref<640x64xf32, #tpu.memory_space<hbm>>) target_semaphore(%run_scoped3A : memref<!tpu.dma_semaphore, #tpu.memory_space<semaphore_mem>>)
        %dma_wait3A_298 = tpu.memref_slice %arg6[%mul3A_294, %mul3A_281] : memref<10000x256xf32, #tpu.memory_space<hbm>> -> memref<640x64xf32, #tpu.memory_space<hbm>>
        %dma_wait3A_299 = arith.constant 0 : i32
        %dma_wait3A_300 = tpu.memref_slice %arg12[%mul3A_0, %dma_wait3A_299] : memref<10240x64xf32, #tpu.memory_space<vmem_shared>> -> memref<640x64xf32, #tpu.memory_space<vmem_shared>>
        tpu.wait_dma2 semaphore(%run_scoped3A : memref<!tpu.dma_semaphore, #tpu.memory_space<semaphore_mem>>) src(%dma_wait3A_300 : memref<640x64xf32, #tpu.memory_space<vmem_shared>>) dst(%dma_wait3A_298 : memref<640x64xf32, #tpu.memory_space<hbm>>)
        tpu.yield
      }) : () -> ()
    } else {
    }
    %eq3A_287 = arith.constant 15 : i32
    %eq3A_288 = arith.cmpi eq, %arg1, %eq3A_287 : i32
    %convert_element_type3A_289 = arith.extui %eq3A_288 : i1 to i32
    %cond3A_290 = arith.constant 0 : i32
    %cond3A_291 = arith.cmpi ne, %convert_element_type3A_289, %cond3A_290 : i32
    scf.if %cond3A_291 {
      "tpu.region"() ({
        %run_scoped3A = tpu.sem_alloc : memref<!tpu.dma_semaphore, #tpu.memory_space<semaphore_mem>>
        %dma_start3A_293 = arith.constant 9600 : i32
        %dma_start3A_294 = tpu.memref_slice %arg6[%dma_start3A_293, %mul3A_281] : memref<10000x256xf32, #tpu.memory_space<hbm>> -> memref<400x64xf32, #tpu.memory_space<hbm>>
        %dma_start3A_295 = arith.constant 9600 : i32
        %dma_start3A_296 = arith.constant 0 : i32
        %dma_start3A_297 = tpu.memref_slice %arg12[%dma_start3A_295, %dma_start3A_296] : memref<10240x64xf32, #tpu.memory_space<vmem_shared>> -> memref<400x64xf32, #tpu.memory_space<vmem_shared>>
        tpu.enqueue_dma source(%dma_start3A_297 : memref<400x64xf32, #tpu.memory_space<vmem_shared>>) target(%dma_start3A_294 : memref<400x64xf32, #tpu.memory_space<hbm>>) target_semaphore(%run_scoped3A : memref<!tpu.dma_semaphore, #tpu.memory_space<semaphore_mem>>)
        %dma_wait3A_298 = arith.constant 9600 : i32
        %dma_wait3A_299 = tpu.memref_slice %arg6[%dma_wait3A_298, %mul3A_281] : memref<10000x256xf32, #tpu.memory_space<hbm>> -> memref<400x64xf32, #tpu.memory_space<hbm>>
        %dma_wait3A_300 = arith.constant 9600 : i32
        %dma_wait3A_301 = arith.constant 0 : i32
        %dma_wait3A_302 = tpu.memref_slice %arg12[%dma_wait3A_300, %dma_wait3A_301] : memref<10240x64xf32, #tpu.memory_space<vmem_shared>> -> memref<400x64xf32, #tpu.memory_space<vmem_shared>>
        tpu.wait_dma2 semaphore(%run_scoped3A : memref<!tpu.dma_semaphore, #tpu.memory_space<semaphore_mem>>) src(%dma_wait3A_302 : memref<400x64xf32, #tpu.memory_space<vmem_shared>>) dst(%dma_wait3A_299 : memref<400x64xf32, #tpu.memory_space<hbm>>)
        tpu.yield
      }) : () -> ()
    } else {
    }
    %barrier3A_292 = arith.constant 0 : index
    tpu.barrier barrier_id(%barrier3A_292)
    return
  }
}

</mosaic_0001>

<sc_bundles>
// kernel: kernel.3.cloned.1.call-start
scs
__scs_entry_jumppad:
0x0: {  	(pc) =	sbr.rel $0x88, $3  }
0x1: {  	(tag) =	ssettag $0x0;
	lr =	simm.s32 $0x1  }
0x2: {  	[smem:$0x3F9F] =	sst lr;
	_ =	strace $0xD0000000  }
0x3: {  	_ = 	snop  }
0x4: {  	_ = 	snop  }
0x5: {  	_ = 	snop  }
0x6: {  	_ = 	snop  }
0x7: {  	_ = 	snop  }
__scs_overlays_trampoline_lowered:
0x8: {  	[smem:$0x3FAE] =	sst s0  }
0x9: {  	[smem:$0x3FAF] =	sst s1  }
0xa: {  	[smem:$0x3FB0] =	sst s2  }
0xb: {  	[smem:$0x3FB1] =	sst s3  }
0xc: {  	[smem:$0x3FB2] =	sst s4  }
0xd: {  	[smem:$0x3FB3] =	sst s5  }
0xe: {  	[smem:$0x3FB4] =	sst s6  }
0xf: {  	[smem:$0x3FB5] =	sst s7  }
0x10: {  	[smem:$0x3FB6] =	sst s8  }
0x11: {  	[smem:$0x3FB7] =	sst s9;
	s0 =	simm.s32 @!p0 $0x0  }
0x12: {  	s1 =	sld [smem:$0x3F9D];
	s0 =	simm.s32 @p0 $0x1  }
0x13: {  	[smem:$0x3FB8] =	sst s0;
	s0 =	simm.s32 @!p1 $0x0  }
0x14: {  	s2 =	sld [smem:$0x3F9C];
	s0 =	simm.s32 @p1 $0x1  }
0x15: {  	[smem:$0x3FB9] =	sst s0;
	s0 =	simm.s32 @!p2 $0x0  }
0x16: {  	s3 =	sld [smem:$0x3FDB];
	s0 =	simm.s32 @p2 $0x1  }
0x17: {  	s4 =	simm.s32 $0x1BF5;
	[smem:$0x3FBB] =	sst s0  }
0x18: {  	s0 =	sld [smem:$0x3F9E];
	_ =	swait.ge [sflag:s4], $0x0  }
0x19: {  	s7 =	sld [smem:$0x3F9F]  }
0x1a: {  	s8 =	sadd.s32 $0xFFFFE003, lr  }
0x1b: {  	s9 =	sadd.s32 $0xFFFFFEF7, lr;
	s5 =	simm.s32 $0xFFFFFFFF;
	p2 =	slt.u32 s8, $0xFFFFF086  }
0x1c: {  	p1 =	slt.u32 s9, $0xF7A;
	s5 =	simm.s32 @!p2 $0x0  }
0x1d: {  	s5 =	simm.s32 @p1 $0x1;
	p0 =	seq.s32 s7, s2  }
0x1e: {  	s7 =	smul.u32 @!p0 $0xF7A, s2;
	p2 =	seq.s32 @!p0 s5, $0x0  }
0x1f: {  	s9 =	smul.u32 $0xF7A, s1;
	s8 =	simm.s32 @!p0 $0x1BF5;
	p2 =	por !p2, p0  }
0x20: {  	[sflag:s8] =	ssyncset.s32 @!p0 $0xFFFFF086;
	s6 =	sadd.s32 @!p0 s3, s7;
	s7 =	simm.s32 @!p0 $0x108  }
0x21: {  	s3 =	sadd.s32 s3, s9;
	s6 =	sadd.s32 @!p0 $0x88, s6;
	s7 =	simm.s32 @p2 $0x1082  }
0x22: {  	[simem:s7], [sflag:s8] =	dma.local @!p0 [hbm:s6], $0xF7A  }
0x23: {  	s9 =	sor.u32 $0xD0000000, s2;
	s6 =	simm.s32 $0x108;
	_ =	swait.ge @!p0 [sflag:s8], $0x0  }
0x24: {  	s3 =	sadd.s32 $0x88, s3;
	s6 =	simm.s32 @!p1 $0x1082;
	[sflag:s4] =	ssyncset.s32 $0xFFFFF086  }
0x25: {  	[simem:s6], [sflag:s4] =	dma.local [hbm:s3], $0xF7A  }
0x26: {  	[smem:$0x3F9F] =	sst s1;
	(tag) =	ssettag s2;
	_ =	strace s9  }
0x27: {  	s1 =	sld [smem:$0x3FAF]  }
0x28: {  	s2 =	sld [smem:$0x3FB0]  }
0x29: {  	s4 =	sld [smem:$0x3FB2]  }
0x2a: {  	p0 =	seq.s32 s5, $0x0;
	s5 =	sld [smem:$0x3FB3]  }
0x2b: {  	s6 =	sld [smem:$0x3FB4]  }
0x2c: {  	s7 =	sld [smem:$0x3FB5]  }
0x2d: {  	s3 =	simm.s32 $0x108;
	s8 =	sld [smem:$0x3FB6]  }
0x2e: {  	s3 =	simm.s32 @!p0 $0x1082;
	s9 =	sld [smem:$0x3FB7]  }
0x2f: {  	lr =	sadd.s32 s0, s3;
	s0 =	sld [smem:$0x3FAE]  }
0x30: {  	s3 =	sld [smem:$0x3FB1]  }
0x31: {  	[smem:$0x3FBA] =	sst s10  }
0x32: {  	s10 =	sld [smem:$0x3FB8];
	_ =	sdelay $0x3  }
0x33: {  	p0 =	seq.s32 s10, $0x1;
	s10 =	sld [smem:$0x3FBA];
	_ =	sdelay $0x3  }
0x34: {  	[smem:$0x3FBA] =	sst s10  }
0x35: {  	s10 =	sld [smem:$0x3FB9];
	_ =	sdelay $0x3  }
0x36: {  	p1 =	seq.s32 s10, $0x1;
	s10 =	sld [smem:$0x3FBA];
	_ =	sdelay $0x3  }
0x37: {  	[smem:$0x3FBA] =	sst s10  }
0x38: {  	s10 =	sld [smem:$0x3FBB]  }
0x39: {  	_ = 	snop;
	(pc) =	sbr.ind lr, $3  }
0x3a: {  	_ = 	snop  }
0x3b: {  	_ = 	snop  }
0x3c: {  	p2 =	seq.s32 s10, $0x1;
	s10 =	sld [smem:$0x3FBA]  }
0x3d: {  	_ =	shalt  }
0x3e: {  	_ =	shalt  }
0x3f: {  	_ =	shalt  }
0x40: {  	_ =	shalt  }
0x41: {  	_ =	shalt  }
0x42: {  	_ =	shalt  }
0x43: {  	_ =	shalt  }
0x44: {  	_ =	shalt  }
0x45: {  	_ =	shalt  }
0x46: {  	_ =	shalt  }
0x47: {  	_ =	shalt  }
0x48: {  	_ =	shalt  }
0x49: {  	_ =	shalt  }
0x4a: {  	_ =	shalt  }
0x4b: {  	_ =	shalt  }
0x4c: {  	_ =	shalt  }
0x4d: {  	_ =	shalt  }
0x4e: {  	_ =	shalt  }
0x4f: {  	_ =	shalt  }
0x50: {  	_ =	shalt  }
0x51: {  	_ =	shalt  }
0x52: {  	_ =	shalt  }
0x53: {  	_ =	shalt  }
0x54: {  	_ =	shalt  }
0x55: {  	_ =	shalt  }
0x56: {  	_ =	shalt  }
0x57: {  	_ =	shalt  }
0x58: {  	_ =	shalt  }
0x59: {  	_ =	shalt  }
0x5a: {  	_ =	shalt  }
0x5b: {  	_ =	shalt  }
0x5c: {  	_ =	shalt  }
0x5d: {  	_ =	shalt  }
0x5e: {  	_ =	shalt  }
0x5f: {  	_ =	shalt  }
0x60: {  	_ =	shalt  }
0x61: {  	_ =	shalt  }
0x62: {  	_ =	shalt  }
0x63: {  	_ =	shalt  }
0x64: {  	_ =	shalt  }
0x65: {  	_ =	shalt  }
0x66: {  	_ =	shalt  }
0x67: {  	_ =	shalt  }
0x68: {  	_ =	shalt  }
0x69: {  	_ =	shalt  }
0x6a: {  	_ =	shalt  }
0x6b: {  	_ =	shalt  }
0x6c: {  	_ =	shalt  }
0x6d: {  	_ =	shalt  }
0x6e: {  	_ =	shalt  }
0x6f: {  	_ =	shalt  }
0x70: {  	_ =	shalt  }
0x71: {  	_ =	shalt  }
0x72: {  	_ =	shalt  }
0x73: {  	_ =	shalt  }
0x74: {  	_ =	shalt  }
0x75: {  	_ =	shalt  }
0x76: {  	_ =	shalt  }
0x77: {  	_ =	shalt  }
0x78: {  	_ =	shalt  }
0x79: {  	_ =	shalt  }
0x7a: {  	_ =	shalt  }
0x7b: {  	_ =	shalt  }
0x7c: {  	_ =	shalt  }
0x7d: {  	_ =	shalt  }
0x7e: {  	_ =	shalt  }
0x7f: {  	_ =	shalt  }
0x80: {  	_ =	shalt  }
0x81: {  	_ =	shalt  }
0x82: {  	_ =	shalt  }
0x83: {  	_ =	shalt  }
0x84: {  	_ =	shalt  }
0x85: {  	_ =	shalt  }
0x86: {  	_ =	shalt  }
0x87: {  	_ =	shalt  }
.Lfunc_end0:
.L_simem_size_0:
called_computation_lowered:
.L_overlay_start_0:
0x88: {  	s2 =	sld [smem:$0x3FD9]  }
0x89: {  	s3 =	sld [smem:$0x3FFE];
	_ =	sdelay $0x1  }
0x8a: {  	s1 =	srdreg.scid  }
0x8b: {  	s0 =	sand.u32 $0x1, s1  }
0x8c: {  	s17 =	sshll.u32 s0, $0xA;
	s2 =	sadd.s32 s3, s2  }
0x8d: {  	s2 =	sadd.s32 s2, s17  }
0x8e: {  	[smem:$0x3FC6] =	sst s2  }
0x8f: {  	_ = 	snop  }
0x90: {  	s2 =	sld [smem:$0x3FD0];
	(tm) =	ssettm $0x1  }
0x91: {  	s18 =	sld [smem:$0x3FFB];
	_ =	sdelay $0x3  }
0x92: {  	_ =	strace s18  }
0x93: {  	s3 =	sld [smem:$0x3FFC];
	_ =	sdelay $0x3  }
0x94: {  	_ =	strace s3  }
0x95: {  	s3 =	sld [smem:$0x3FFD];
	_ =	sdelay $0x3  }
0x96: {  	_ =	strace s3  }
0x97: {  	_ =	strace $0x8FFFFFFF  }
0x98: {  	s19 =	sld [smem:$0x3FDB];
	_ =	sdelay $0x1  }
0x99: {  	s4 =	simm.s32 $_scs_section_size  }
0x9a: {  	s5 =	simm.s32 $_size__tile_overlayer_lowered;
	s6 =	simm.s32 $_tile_overlayer_lowered  }
0x9b: {  	s22 =	simm.s32 $0x1BFF;
	s21 =	sshll.u32 s6, $0x1;
	s3 =	sadd.s32 s4, s19  }
0x9c: {  	s7 =	simm.s32 $0x0;
	s20 =	sshll.u32 s5, $0x1;
	s5 =	sadd.s32 s21, s3  }
0x9d: {  	[timem:s7], [sflag:s22] =	dma.local [hbm:s5], s20  }
0x9e: {  	_ =	swait.ge [sflag:s22], s20  }
0x9f: {  	s4 =	ssub.s32 $0x0, s20;
	[sflag:s22] =	ssyncset.done $0x0  }
0xa0: {  	[sflag:s22] =	ssyncadd.s32 s4;
	_ =	sdelay $0x1  }
0xa1: {  	s23 =	simm.s32 $0x1B8B  }
0xa2: {  	_ =	swait.ge [sflag:s23], $0x1  }
0xa3: {  	[sflag:s23] =	ssyncset.done $0x0  }
0xa4: {  	s25 =	simm.s32 $0x1B8E;
	s24 =	sld [smem:$0x3FFE];
	[sflag:s23] =	ssyncadd.s32 $0xFFFFFFFF  }
0xa5: {  	s26 =	simm.s32 $execute0_lowered;
	[smem:$0x3FD2] =	sst s25  }
0xa6: {  	s5 =	sshll.u32 s26, $0x1;
	_ =	strace $0x80000046;
	[dreg:$0x1] =	wrdreg $0xFFFFFFFF  }
0xa7: {  	s28 =	simm.s32 $_size_execute0_lowered;
	s3 =	sadd.s32 s3, s5;
	[dreg:$0x0] =	wrdreg $0x0  }
0xa8: {  	s5 =	sshll.u32 s28, $0x1;
	[dreg:$0x2] =	wrdreg s3  }
0xa9: {  	[dreg:$0x3] =	wrdreg s5  }
0xaa: {  	[dreg:$0x4] =	wrdreg $0xC0  }
0xab: {  	_ =	task [dreg:s7], $0x5FFFF  }
0xac: {  	[dreg:$0x1] =	wrdreg $0xFFFFFFFF  }
0xad: {  	[dreg:$0x0] =	wrdreg $0x60  }
0xae: {  	[dreg:$0x2] =	wrdreg s2  }
0xaf: {  	[dreg:$0x3] =	wrdreg s24  }
0xb0: {  	[dreg:$0x4] =	wrdreg $0x91000  }
0xb1: {  	[dreg:$0x5] =	wrdreg $0x131000  }
0xb2: {  	[dreg:$0x6] =	wrdreg $0x9  }
0xb3: {  	_ =	task.clear_ibuf [dreg:s7], $0x7FFFF;
	_ =	strace $0x90000046  }
0xb4: {  	s29 =	simm.s32 $0x9;
	_ =	strace $0x80000048  }
0xb5: {  	_ =	swait.ge [sflag:s29], $0x1  }
0xb6: {  	[sflag:s29] =	ssyncadd.s32 $0xFFFFFFFF  }
0xb7: {  	_ =	strace $0x90000048  }
0xb8: {  	_ =	sfence  }
0xb9: {  	s30 =	sld [smem:$0x0];
	_ =	sdelay $0x2  }
0xba: {  	s31 =	sshll.u32 s1, $0xD;
	s1 =	sshrl.u32 s1, $0x2  }
0xbb: {  	s3 =	sand.u32 $0x4000, s31;
	s1 =	sadd.s32 s1, s30  }
0xbc: {  	s0 =	sor.u32 s3, s0;
	s1 =	sshll.u32 s1, $0x11  }
0xbd: {  	s0 =	sor.u32 s1, s0  }
0xbe: {  	s0 =	sadd.s32 $0x8F2B, s0  }
0xbf: {  	[sflag:s0] =	ssyncadd.remote.s32 $0x1  }
0xc0: {  	_ =	sfence.sel $0xFFFF  }
0xc1: {  	[dreg:$0x0] =	wrdreg $0xFFFFFFFF;
	(pc) =	sbr.abs _section_cstart, $3  }
0xc2: {  	[dreg:$0x1] =	wrdreg $0xFFFFFFFF  }
0xc3: {  	_ =	task.clear_ibuf [dreg:s7], $0x2FFFF;
	_ =	strace $0x9FFFFFFF  }
0xc4: {  	(tm) =	ssettm $0x7FFFFFFF  }
0xc5: {  	_ =	shalt  }
tec
execute0_lowered:
.L_overlay_start_1:
0x0: {  	(tag) =	ssettag $0x1  }
0x1: {  	s0 =	rddreg [dreg:$0x0]  }
0x2: {  	s6 =	rddreg [dreg:$0x1]  }
0x3: {  	s2 =	rddreg [dreg:$0x2]  }
0x4: {  	s3 =	rddreg [dreg:$0x3]  }
0x5: {  	s1 =	stileid.u32;
	s4 =	simm.s32 $0x0;
	s7 =	srdreg.scid  }
0x6: {  	s28 =	simm.s32 $0x1;
	s29 =	simm.s32 $0x2;
	s5 =	smul.u32 $0x520, s1  }
0x7: {  	s30 =	simm.s32 $0x0;
	[smem:$0x7FF] =	sst s4;
	s10 =	smul.u32 $0x500, s1  }
0x8: {  	s7 =	sand.u32 $0x1, s7;
	s18 =	sadd.s32 $0xB600, s6;
	s12 =	smul.u32 $0x28000, s1  }
0x9: {  	s22 =	smul.u32 $0xA000, s1;
	s23 =	sadd.s32 $0x96000, s2;
	p0 =	seq.s32 s1, $0xF  }
0xa: {  	_ =	strace $0x80000047;
	s9 =	ssub.s32 $0x2, s7;
	s17 =	sshll.u32 s7, $0x7  }
0xb: {  	s7 =	sshll.u32 s7, $0x4;
	[dreg:$0x8] =	wrdreg s23;
	s8 =	sadd.s32 s5, s6  }
0xc: {  	s5 =	sadd.s32 $0xA200, s6;
	s11 =	sshrl.u32 s9, $0x1;
	s6 =	sadd.s32 s6, s10  }
0xd: {  	s19 =	sor.u32 s17, s12;
	s20 =	sshrl.u32 s12, $0x2;
	s15 =	sadd.s32 s7, s0  }
0xe: {  	s12 =	sadd.s32 s22, s2;
	s31 =	sadd.s32 s7, s18;
	s17 =	sadd.s32 $0x96000, s3  }
0xf: {  	s9 =	ssub.s32 s9, s11;
	s8 =	sadd.s32 $0x5000, s8;
	[dreg:$0x6] =	wrdreg s6  }
0x10: {  	s6 =	sshrl.u32 s19, $0x3;
	s24 =	sadd.s32 $0x4B000, s15;
	s11 =	sadd.s32 s22, s3  }
0x11: {  	s26 =	sadd.s32 $0x4B008, s15;
	s16 =	sadd.s32 $0x4B000, s31;
	[dreg:$0x5] =	wrdreg s8  }
0x12: {  	s8 =	sadd.s32 s20, s2;
	s21 =	sadd.s32 s0, s6;
	[dreg:$0x9] =	wrdreg s24  }
0x13: {  	s19 =	sor.u32 $0x8, s6;
	s25 =	sadd.s32 s18, s6;
	[dreg:$0xc] =	wrdreg s26  }
0x14: {  	s20 =	smax.u32 s9, $0x1;
	s24 =	simm.s32 $0x80;
	[dreg:$0x7] =	wrdreg s21  }
0x15: {  	s26 =	simm.s32 $0x7100;
	s0 =	sadd.s32 s0, s19;
	[dreg:$0xb] =	wrdreg s25  }
0x16: {  	s18 =	sadd.s32 s18, s19;
	s19 =	sadd.s32 $0x4B008, s31;
	s21 =	simm.s32 $0x3  }
0x17: {  	s23 =	sshrl.u32 @!p0 s8, $0x3;
	s25 =	simm.s32 $0x5100;
	[dreg:$0xa] =	wrdreg s0  }
.LBB2_1:
0x18: {  	s0 =	rddreg [dreg:$0x5]  }
0x19: {  	[tilespmem:s4], [sflag:$0x3] =	stream.linear.gather [hbm4b:s0+s4], $0x2900, $0x38;
	[tilespmem:$0x1D100] =	vst v63  }
0x1a: {  	_ =	swait.ge [sflag:s21], $0x2900  }
0x1b: {  	[sflag:s21] =	ssyncset.done $0x0  }
0x1c: {  	s6 =	simm.s32 $0x2900;
	s9 =	rddreg [dreg:$0x6];
	[sflag:s21] =	ssyncadd.s32 $0xFFFFD700  }
0x1d: {  	[tilespmem:s6], [sflag:$0x3] =	stream.linear.gather [hbm4b:s9+s4], $0x2800, $0x38;
	[tilespmem:$0x1D100] =	vst v63  }
0x1e: {  	_ =	swait.ge [sflag:s21], $0x2800  }
0x1f: {  	s8 =	simm.s32 @p0 $0x20;
	s6 =	simm.s32 @p0 $0x1;
	s0 =	rddreg [dreg:$0x8]  }
0x20: {  	s9 =	simm.s32 @p0 $0x1FC1;
	[sflag:s21] =	ssyncset.done $0x0;
	s10 =	rddreg [dreg:$0x9]  }
0x21: {  	[sflag:s21] =	ssyncadd.s32 $0xFFFFD800;
	s7 =	sshrl.u32 @p0 s0, $0x3;
	s0 =	simm.s32 @p0 $0x8  }
0x22: {  	[spmem:s7@s0], [sflag:s9] =	dma.strided @p0 [hbm:s10@s8], $0xC80, s6, $0x8   }
0x23: {  	s0 =	sshll.u32 @!p0 s1, $0x6;
	s8 =	simm.s32 @!p0 $0x1;
	s9 =	simm.s32 @!p0 $0x20  }
0x24: {  	s22 =	sor.u32 @!p0 $0x1C01, s0;
	s0 =	simm.s32 @!p0 $0x8;
	s10 =	rddreg [dreg:$0x7]  }
0x25: {  	[spmem:s23@s0], [sflag:s22] =	dma.strided @!p0 [hbm:s10@s9], $0x1400, s8, $0x8   }
0x26: {  	s10 =	sshll.u32 s1, $0x6  }
0x27: {  	s0 =	sshrl.u32 s11, $0x3;
	s31 =	sor.u32 $0x1C03, s10  }
0x28: {  	[spmem:s0], [sflag:s31] =	dma.local [hbm:s5], $0x1400  }
0x29: {  	_ =	swait.ge [sflag:s21], $0x1400  }
0x2a: {  	[sflag:s21] =	ssyncset.done $0x0  }
0x2b: {  	[sflag:s21] =	ssyncadd.s32 $0xFFFFEC00  }
0x2c: {  	_ =	swait.ge @p0 [sflag:s6], $0xC80  }
0x2d: {  	[sflag:s6] =	ssyncset.done @p0 $0x0  }
0x2e: {  	[sflag:s6] =	ssyncadd.s32 @p0 $0xFFFFF380  }
0x2f: {  	_ =	swait.ge @!p0 [sflag:s8], $0x1400  }
0x30: {  	[sflag:s8] =	ssyncset.done @!p0 $0x0  }
0x31: {  	[sflag:s8] =	ssyncadd.s32 @!p0 $0xFFFFEC00  }
0x32: {  	[bflag:$0x0] =	sbarrier.arrive $0xFFFF  }
0x33: {  	[tilespmem:s25], [sflag:$0x1] =	stream.indirect.gather [spmem:s2], $0x40, s4, s24, $0xb8;
	[tilespmem:$0x1D100] =	vst v63  }
0x34: {  	_ = 	snop  }
0x35: {  	[tilespmem:s26], [sflag:$0x2] =	stream.indirect.gather [spmem:s2], $0x40, s24, s24, $0xb8;
	[tilespmem:$0x1D100] =	vst v63  }
0x36: {  	_ =	swait.ge [sflag:s28], $0x2000  }
0x37: {  	[sflag:s28] =	ssyncset.done $0x0  }
0x38: {  	s13 =	simm.s32 $0x2900;
	[sflag:s28] =	ssyncadd.s32 $0xFFFFE000  }
0x39: {  	[spmem:s3] =	stream.indirect.scatter.add.f32 [tilespmem:s25], [sflag:$0x3], $0x40, s13, s24, $0xb8;
	[tilespmem:$0x1D100] =	vst v63  }
0x3a: {  	_ =	swait.ge [sflag:s21], $0x2000  }
0x3b: {  	[sflag:s21] =	ssyncset.done $0x0  }
0x3c: {  	s14 =	simm.s32 $0x100;
	[sflag:s21] =	ssyncadd.s32 $0xFFFFE000  }
0x3d: {  	[tilespmem:s25], [sflag:$0x1] =	stream.indirect.gather [spmem:s2], $0x40, s14, s24, $0xb8;
	[tilespmem:$0x1D100] =	vst v63  }
0x3e: {  	_ =	swait.ge [sflag:s29], $0x2000  }
0x3f: {  	[sflag:s29] =	ssyncset.done $0x0  }
0x40: {  	s15 =	simm.s32 $0x2980;
	[sflag:s29] =	ssyncadd.s32 $0xFFFFE000  }
0x41: {  	[spmem:s3] =	stream.indirect.scatter.add.f32 [tilespmem:s26], [sflag:$0x3], $0x40, s15, s24, $0xb8;
	[tilespmem:$0x1D100] =	vst v63  }
0x42: {  	_ =	swait.ge [sflag:s21], $0x2000  }
0x43: {  	[sflag:s21] =	ssyncset.done $0x0  }
0x44: {  	s6 =	simm.s32 $0x400;
	s8 =	simm.s32 $0x180;
	[sflag:s21] =	ssyncadd.s32 $0xFFFFE000  }
.LBB2_2:
0x45: {  	[tilespmem:s26], [sflag:$0x2] =	stream.indirect.gather [spmem:s2], $0x40, s8, s24, $0xb8;
	[tilespmem:$0x1D100] =	vst v63  }
0x46: {  	s8 =	smov.u32 s6  }
0x47: {  	p1 =	sne.s32 s6, $0x9C00;
	s6 =	sadd.s32 $0x400, s6;
	_ =	swait.ge [sflag:s28], $0x2000  }
0x48: {  	s8 =	sshra.s32 s8, $0x2;
	[sflag:s28] =	ssyncset.done $0x0  }
0x49: {  	s9 =	sadd.s32 $0x2900, s8;
	[sflag:s28] =	ssyncadd.s32 $0xFFFFE000  }
0x4a: {  	[spmem:s3] =	stream.indirect.scatter.add.f32 [tilespmem:s25], [sflag:$0x3], $0x40, s9, s24, $0xb8;
	[tilespmem:$0x1D100] =	vst v63  }
0x4b: {  	_ =	swait.ge [sflag:s21], $0x2000  }
0x4c: {  	[sflag:s21] =	ssyncset.done $0x0  }
0x4d: {  	s9 =	sadd.s32 $0x100, s8;
	[sflag:s21] =	ssyncadd.s32 $0xFFFFE000  }
0x4e: {  	[tilespmem:s25], [sflag:$0x1] =	stream.indirect.gather [spmem:s2], $0x40, s9, s24, $0xb8;
	[tilespmem:$0x1D100] =	vst v63  }
0x4f: {  	_ =	swait.ge [sflag:s29], $0x2000  }
0x50: {  	[sflag:s29] =	ssyncset.done $0x0  }
.Ltmp0:
0x51: {  	s9 =	sadd.s32 $0x2980, s8;
	[sflag:s29] =	ssyncadd.s32 $0xFFFFE000;
	(pc) =	sbr.rel @p1 .LBB2_2-.Ltmp0, $4  }
0x52: {  	[spmem:s3] =	stream.indirect.scatter.add.f32 [tilespmem:s26], [sflag:$0x3], $0x40, s9, s24, $0xb8;
	[tilespmem:$0x1D100] =	vst v63  }
0x53: {  	_ =	swait.ge [sflag:s21], $0x2000  }
0x54: {  	[sflag:s21] =	ssyncset.done $0x0  }
0x55: {  	s8 =	sadd.s32 $0x180, s8;
	[sflag:s21] =	ssyncadd.s32 $0xFFFFE000  }
0x56: {  	[tilespmem:s26], [sflag:$0x2] =	stream.indirect.gather [spmem:s2], $0x40, s8, s24, $0xb8;
	[tilespmem:$0x1D100] =	vst v63  }
0x57: {  	_ =	swait.ge [sflag:s28], $0x2000  }
0x58: {  	[sflag:s28] =	ssyncset.done $0x0  }
0x59: {  	[sflag:s28] =	ssyncadd.s32 $0xFFFFE000  }
0x5a: {  	_ =	swait.ge [sflag:s29], $0x2000  }
0x5b: {  	[sflag:s29] =	ssyncset.done $0x0  }
0x5c: {  	[sflag:s29] =	ssyncadd.s32 $0xFFFFE000  }
0x5d: {  	s6 =	sshrl.u32 s12, $0x3;
	[bflag:$0x0] =	sbarrier.arrive $0xFFFF  }
0x5e: {  	[spmem:s6], [sflag:s31] =	dma.local [hbm:s5], $0x1400  }
0x5f: {  	_ =	swait.ge [sflag:s21], $0x1400  }
0x60: {  	[sflag:s21] =	ssyncset.done $0x0  }
0x61: {  	[sflag:s21] =	ssyncadd.s32 $0xFFFFEC00  }
0x62: {  	s10 =	simm.s32 $0x0;
	[bflag:$0x0] =	sbarrier.arrive $0xFFFF  }
0x63: {  	[tilespmem:s25], [sflag:$0x1] =	stream.indirect.gather [spmem:s3], $0x40, s10, s24, $0xb8;
	[tilespmem:$0x1D100] =	vst v63  }
0x64: {  	_ = 	snop  }
0x65: {  	[tilespmem:s26], [sflag:$0x2] =	stream.indirect.gather [spmem:s3], $0x40, s24, s24, $0xb8;
	[tilespmem:$0x1D100] =	vst v63  }
0x66: {  	_ =	swait.ge [sflag:s28], $0x2000  }
0x67: {  	[sflag:s28] =	ssyncset.done $0x0  }
0x68: {  	s13 =	simm.s32 $0x2900;
	[sflag:s28] =	ssyncadd.s32 $0xFFFFE000  }
0x69: {  	[spmem:s2] =	stream.indirect.scatter.add.f32 [tilespmem:s25], [sflag:$0x3], $0x40, s13, s24, $0xb8;
	[tilespmem:$0x1D100] =	vst v63  }
0x6a: {  	_ =	swait.ge [sflag:s21], $0x2000  }
0x6b: {  	[sflag:s21] =	ssyncset.done $0x0  }
0x6c: {  	s14 =	simm.s32 $0x100;
	[sflag:s21] =	ssyncadd.s32 $0xFFFFE000  }
0x6d: {  	[tilespmem:s25], [sflag:$0x1] =	stream.indirect.gather [spmem:s3], $0x40, s14, s24, $0xb8;
	[tilespmem:$0x1D100] =	vst v63  }
0x6e: {  	_ =	swait.ge [sflag:s29], $0x2000  }
0x6f: {  	[sflag:s29] =	ssyncset.done $0x0  }
0x70: {  	s15 =	simm.s32 $0x2980;
	[sflag:s29] =	ssyncadd.s32 $0xFFFFE000  }
0x71: {  	[spmem:s2] =	stream.indirect.scatter.add.f32 [tilespmem:s26], [sflag:$0x3], $0x40, s15, s24, $0xb8;
	[tilespmem:$0x1D100] =	vst v63  }
0x72: {  	_ =	swait.ge [sflag:s21], $0x2000  }
0x73: {  	[sflag:s21] =	ssyncset.done $0x0  }
0x74: {  	s8 =	simm.s32 $0x400;
	s9 =	simm.s32 $0x180;
	[sflag:s21] =	ssyncadd.s32 $0xFFFFE000  }
.LBB2_4:
0x75: {  	[tilespmem:s26], [sflag:$0x2] =	stream.indirect.gather [spmem:s3], $0x40, s9, s24, $0xb8;
	[tilespmem:$0x1D100] =	vst v63  }
0x76: {  	s9 =	smov.u32 s8  }
0x77: {  	p1 =	sne.s32 s8, $0x9C00;
	s8 =	sadd.s32 $0x400, s8;
	_ =	swait.ge [sflag:s28], $0x2000  }
0x78: {  	s9 =	sshra.s32 s9, $0x2;
	[sflag:s28] =	ssyncset.done $0x0  }
0x79: {  	s10 =	sadd.s32 $0x2900, s9;
	[sflag:s28] =	ssyncadd.s32 $0xFFFFE000  }
0x7a: {  	[spmem:s2] =	stream.indirect.scatter.add.f32 [tilespmem:s25], [sflag:$0x3], $0x40, s10, s24, $0xb8;
	[tilespmem:$0x1D100] =	vst v63  }
0x7b: {  	_ =	swait.ge [sflag:s21], $0x2000  }
0x7c: {  	[sflag:s21] =	ssyncset.done $0x0  }
0x7d: {  	s10 =	sadd.s32 $0x100, s9;
	[sflag:s21] =	ssyncadd.s32 $0xFFFFE000  }
0x7e: {  	[tilespmem:s25], [sflag:$0x1] =	stream.indirect.gather [spmem:s3], $0x40, s10, s24, $0xb8;
	[tilespmem:$0x1D100] =	vst v63  }
0x7f: {  	_ =	swait.ge [sflag:s29], $0x2000  }
0x80: {  	[sflag:s29] =	ssyncset.done $0x0  }
.Ltmp1:
0x81: {  	s10 =	sadd.s32 $0x2980, s9;
	[sflag:s29] =	ssyncadd.s32 $0xFFFFE000;
	(pc) =	sbr.rel @p1 .LBB2_4-.Ltmp1, $4  }
0x82: {  	[spmem:s2] =	stream.indirect.scatter.add.f32 [tilespmem:s26], [sflag:$0x3], $0x40, s10, s24, $0xb8;
	[tilespmem:$0x1D100] =	vst v63  }
0x83: {  	_ =	swait.ge [sflag:s21], $0x2000  }
0x84: {  	[sflag:s21] =	ssyncset.done $0x0  }
0x85: {  	s9 =	sadd.s32 $0x180, s9;
	[sflag:s21] =	ssyncadd.s32 $0xFFFFE000  }
0x86: {  	[tilespmem:s26], [sflag:$0x2] =	stream.indirect.gather [spmem:s3], $0x40, s9, s24, $0xb8;
	[tilespmem:$0x1D100] =	vst v63  }
0x87: {  	_ =	swait.ge [sflag:s28], $0x2000  }
0x88: {  	[sflag:s28] =	ssyncset.done $0x0  }
0x89: {  	[sflag:s28] =	ssyncadd.s32 $0xFFFFE000  }
0x8a: {  	_ =	swait.ge [sflag:s29], $0x2000  }
0x8b: {  	[sflag:s29] =	ssyncset.done $0x0  }
0x8c: {  	[sflag:s29] =	ssyncadd.s32 $0xFFFFE000  }
0x8d: {  	[bflag:$0x0] =	sbarrier.arrive $0xFFFF  }
0x8e: {  	[spmem:s0], [sflag:s31] =	dma.local [hbm:s5], $0x1400  }
0x8f: {  	_ =	swait.ge [sflag:s21], $0x1400  }
0x90: {  	[sflag:s21] =	ssyncset.done $0x0  }
0x91: {  	[sflag:s21] =	ssyncadd.s32 $0xFFFFEC00  }
0x92: {  	s8 =	simm.s32 $0x0;
	[bflag:$0x0] =	sbarrier.arrive $0xFFFF  }
0x93: {  	[tilespmem:s25], [sflag:$0x1] =	stream.indirect.gather [spmem:s2], $0x40, s8, s24, $0xb8;
	[tilespmem:$0x1D100] =	vst v63  }
0x94: {  	_ = 	snop  }
0x95: {  	[tilespmem:s26], [sflag:$0x2] =	stream.indirect.gather [spmem:s2], $0x40, s24, s24, $0xb8;
	[tilespmem:$0x1D100] =	vst v63  }
0x96: {  	_ =	swait.ge [sflag:s28], $0x2000  }
0x97: {  	[sflag:s28] =	ssyncset.done $0x0  }
0x98: {  	s13 =	simm.s32 $0x2900;
	[sflag:s28] =	ssyncadd.s32 $0xFFFFE000  }
0x99: {  	[spmem:s3] =	stream.indirect.scatter.add.f32 [tilespmem:s25], [sflag:$0x3], $0x40, s13, s24, $0xb8;
	[tilespmem:$0x1D100] =	vst v63  }
0x9a: {  	_ =	swait.ge [sflag:s21], $0x2000  }
0x9b: {  	[sflag:s21] =	ssyncset.done $0x0  }
0x9c: {  	s14 =	simm.s32 $0x100;
	[sflag:s21] =	ssyncadd.s32 $0xFFFFE000  }
0x9d: {  	[tilespmem:s25], [sflag:$0x1] =	stream.indirect.gather [spmem:s2], $0x40, s14, s24, $0xb8;
	[tilespmem:$0x1D100] =	vst v63  }
0x9e: {  	_ =	swait.ge [sflag:s29], $0x2000  }
0x9f: {  	[sflag:s29] =	ssyncset.done $0x0  }
0xa0: {  	s15 =	simm.s32 $0x2980;
	[sflag:s29] =	ssyncadd.s32 $0xFFFFE000  }
0xa1: {  	[spmem:s3] =	stream.indirect.scatter.add.f32 [tilespmem:s26], [sflag:$0x3], $0x40, s15, s24, $0xb8;
	[tilespmem:$0x1D100] =	vst v63  }
0xa2: {  	_ =	swait.ge [sflag:s21], $0x2000  }
0xa3: {  	[sflag:s21] =	ssyncset.done $0x0  }
0xa4: {  	s9 =	simm.s32 $0x180;
	s8 =	simm.s32 $0x400;
	[sflag:s21] =	ssyncadd.s32 $0xFFFFE000  }
.LBB2_6:
0xa5: {  	[tilespmem:s26], [sflag:$0x2] =	stream.indirect.gather [spmem:s2], $0x40, s9, s24, $0xb8;
	[tilespmem:$0x1D100] =	vst v63  }
0xa6: {  	s9 =	smov.u32 s8  }
0xa7: {  	p1 =	sne.s32 s8, $0x9C00;
	s8 =	sadd.s32 $0x400, s8;
	_ =	swait.ge [sflag:s28], $0x2000  }
0xa8: {  	s9 =	sshra.s32 s9, $0x2;
	[sflag:s28] =	ssyncset.done $0x0  }
0xa9: {  	s10 =	sadd.s32 $0x2900, s9;
	[sflag:s28] =	ssyncadd.s32 $0xFFFFE000  }
0xaa: {  	[spmem:s3] =	stream.indirect.scatter.add.f32 [tilespmem:s25], [sflag:$0x3], $0x40, s10, s24, $0xb8;
	[tilespmem:$0x1D100] =	vst v63  }
0xab: {  	_ =	swait.ge [sflag:s21], $0x2000  }
0xac: {  	[sflag:s21] =	ssyncset.done $0x0  }
0xad: {  	s10 =	sadd.s32 $0x100, s9;
	[sflag:s21] =	ssyncadd.s32 $0xFFFFE000  }
0xae: {  	[tilespmem:s25], [sflag:$0x1] =	stream.indirect.gather [spmem:s2], $0x40, s10, s24, $0xb8;
	[tilespmem:$0x1D100] =	vst v63  }
0xaf: {  	_ =	swait.ge [sflag:s29], $0x2000  }
0xb0: {  	[sflag:s29] =	ssyncset.done $0x0  }
.Ltmp2:
0xb1: {  	s10 =	sadd.s32 $0x2980, s9;
	[sflag:s29] =	ssyncadd.s32 $0xFFFFE000;
	(pc) =	sbr.rel @p1 .LBB2_6-.Ltmp2, $4  }
0xb2: {  	[spmem:s3] =	stream.indirect.scatter.add.f32 [tilespmem:s26], [sflag:$0x3], $0x40, s10, s24, $0xb8;
	[tilespmem:$0x1D100] =	vst v63  }
0xb3: {  	_ =	swait.ge [sflag:s21], $0x2000  }
0xb4: {  	[sflag:s21] =	ssyncset.done $0x0  }
0xb5: {  	s9 =	sadd.s32 $0x180, s9;
	[sflag:s21] =	ssyncadd.s32 $0xFFFFE000  }
0xb6: {  	[tilespmem:s26], [sflag:$0x2] =	stream.indirect.gather [spmem:s2], $0x40, s9, s24, $0xb8;
	[tilespmem:$0x1D100] =	vst v63  }
0xb7: {  	_ =	swait.ge [sflag:s28], $0x2000  }
0xb8: {  	[sflag:s28] =	ssyncset.done $0x0  }
0xb9: {  	[sflag:s28] =	ssyncadd.s32 $0xFFFFE000  }
0xba: {  	_ =	swait.ge [sflag:s29], $0x2000  }
0xbb: {  	[sflag:s29] =	ssyncset.done $0x0  }
0xbc: {  	[sflag:s29] =	ssyncadd.s32 $0xFFFFE000  }
0xbd: {  	s8 =	simm.s32 @p0 $0x1;
	s9 =	simm.s32 @p0 $0x8;
	[bflag:$0x0] =	sbarrier.arrive $0xFFFF  }
0xbe: {  	s10 =	simm.s32 @p0 $0x20;
	s13 =	simm.s32 @p0 $0x1FC1;
	s14 =	rddreg [dreg:$0xc]  }
0xbf: {  	[spmem:s7@s9], [sflag:s13] =	dma.strided @p0 [hbm:s14@s10], $0xC80, s8, $0x8   }
0xc0: {  	s7 =	sshrl.u32 @p0 s17, $0x3  }
0xc1: {  	[hbm:s16@s10], [sflag:s31] =	dma.strided @p0 [spmem:s7@s9], $0xC80, s8, $0x8   }
0xc2: {  	s9 =	simm.s32 @p0 $0x3  }
0xc3: {  	s13 =	simm.s32 @!p0 $0x8;
	_ =	swait.ge @p0 [sflag:s9], $0xC80  }
0xc4: {  	s14 =	simm.s32 @!p0 $0x20;
	s10 =	simm.s32 @!p0 $0x1;
	[sflag:s9] =	ssyncset.done @p0 $0x0  }
0xc5: {  	s15 =	rddreg [dreg:$0xa];
	[sflag:s9] =	ssyncadd.s32 @p0 $0xFFFFF380;
	s9 =	sshrl.u32 @!p0 s12, $0x3  }
0xc6: {  	[spmem:s9@s13], [sflag:s22] =	dma.strided @!p0 [hbm:s15@s14], $0x1400, s10, $0x8   }
0xc7: {  	s22 =	sshrl.u32 @!p0 s11, $0x3;
	s9 =	rddreg [dreg:$0xb]  }
0xc8: {  	[hbm:s9@s14], [sflag:s31] =	dma.strided @!p0 [spmem:s22@s13], $0x1400, s10, $0x8   }
0xc9: {  	s9 =	simm.s32 @!p0 $0x3  }
0xca: {  	_ =	swait.ge @!p0 [sflag:s9], $0x1400  }
0xcb: {  	[sflag:s9] =	ssyncset.done @!p0 $0x0  }
0xcc: {  	[sflag:s9] =	ssyncadd.s32 @!p0 $0xFFFFEC00  }
0xcd: {  	[spmem:s0], [sflag:s31] =	dma.local [hbm:s5], $0x1400  }
0xce: {  	_ =	swait.ge [sflag:s21], $0x1400  }
0xcf: {  	[sflag:s21] =	ssyncset.done $0x0  }
0xd0: {  	[sflag:s21] =	ssyncadd.s32 $0xFFFFEC00  }
0xd1: {  	_ =	swait.ge @p0 [sflag:s8], $0xC80  }
0xd2: {  	[sflag:s8] =	ssyncset.done @p0 $0x0  }
0xd3: {  	[sflag:s8] =	ssyncadd.s32 @p0 $0xFFFFF380  }
0xd4: {  	_ =	swait.ge @!p0 [sflag:s10], $0x1400  }
0xd5: {  	[sflag:s10] =	ssyncset.done @!p0 $0x0  }
0xd6: {  	[sflag:s10] =	ssyncadd.s32 @!p0 $0xFFFFEC00  }
0xd7: {  	s10 =	simm.s32 $0x0;
	[bflag:$0x0] =	sbarrier.arrive $0xFFFF  }
0xd8: {  	[tilespmem:s25], [sflag:$0x1] =	stream.indirect.gather [spmem:s2], $0x40, s10, s24, $0xb8;
	[tilespmem:$0x1D100] =	vst v63  }
0xd9: {  	_ = 	snop  }
0xda: {  	[tilespmem:s26], [sflag:$0x2] =	stream.indirect.gather [spmem:s2], $0x40, s24, s24, $0xb8;
	[tilespmem:$0x1D100] =	vst v63  }
0xdb: {  	_ =	swait.ge [sflag:s28], $0x2000  }
0xdc: {  	[sflag:s28] =	ssyncset.done $0x0  }
0xdd: {  	s13 =	simm.s32 $0x2900;
	[sflag:s28] =	ssyncadd.s32 $0xFFFFE000  }
0xde: {  	[spmem:s3] =	stream.indirect.scatter.add.f32 [tilespmem:s25], [sflag:$0x3], $0x40, s13, s24, $0xb8;
	[tilespmem:$0x1D100] =	vst v63  }
0xdf: {  	_ =	swait.ge [sflag:s21], $0x2000  }
0xe0: {  	[sflag:s21] =	ssyncset.done $0x0  }
0xe1: {  	s14 =	simm.s32 $0x100;
	[sflag:s21] =	ssyncadd.s32 $0xFFFFE000  }
0xe2: {  	[tilespmem:s25], [sflag:$0x1] =	stream.indirect.gather [spmem:s2], $0x40, s14, s24, $0xb8;
	[tilespmem:$0x1D100] =	vst v63  }
0xe3: {  	_ =	swait.ge [sflag:s29], $0x2000  }
0xe4: {  	[sflag:s29] =	ssyncset.done $0x0  }
0xe5: {  	s15 =	simm.s32 $0x2980;
	[sflag:s29] =	ssyncadd.s32 $0xFFFFE000  }
0xe6: {  	[spmem:s3] =	stream.indirect.scatter.add.f32 [tilespmem:s26], [sflag:$0x3], $0x40, s15, s24, $0xb8;
	[tilespmem:$0x1D100] =	vst v63  }
0xe7: {  	_ =	swait.ge [sflag:s21], $0x2000  }
0xe8: {  	[sflag:s21] =	ssyncset.done $0x0  }
0xe9: {  	s9 =	simm.s32 $0x180;
	s8 =	simm.s32 $0x400;
	[sflag:s21] =	ssyncadd.s32 $0xFFFFE000  }
.LBB2_8:
0xea: {  	[tilespmem:s26], [sflag:$0x2] =	stream.indirect.gather [spmem:s2], $0x40, s9, s24, $0xb8;
	[tilespmem:$0x1D100] =	vst v63  }
0xeb: {  	s9 =	smov.u32 s8  }
0xec: {  	p1 =	sne.s32 s8, $0x9C00;
	s8 =	sadd.s32 $0x400, s8;
	_ =	swait.ge [sflag:s28], $0x2000  }
0xed: {  	s9 =	sshra.s32 s9, $0x2;
	[sflag:s28] =	ssyncset.done $0x0  }
0xee: {  	s10 =	sadd.s32 $0x2900, s9;
	[sflag:s28] =	ssyncadd.s32 $0xFFFFE000  }
0xef: {  	[spmem:s3] =	stream.indirect.scatter.add.f32 [tilespmem:s25], [sflag:$0x3], $0x40, s10, s24, $0xb8;
	[tilespmem:$0x1D100] =	vst v63  }
0xf0: {  	_ =	swait.ge [sflag:s21], $0x2000  }
0xf1: {  	[sflag:s21] =	ssyncset.done $0x0  }
0xf2: {  	s10 =	sadd.s32 $0x100, s9;
	[sflag:s21] =	ssyncadd.s32 $0xFFFFE000  }
0xf3: {  	[tilespmem:s25], [sflag:$0x1] =	stream.indirect.gather [spmem:s2], $0x40, s10, s24, $0xb8;
	[tilespmem:$0x1D100] =	vst v63  }
0xf4: {  	_ =	swait.ge [sflag:s29], $0x2000  }
0xf5: {  	[sflag:s29] =	ssyncset.done $0x0  }
.Ltmp3:
0xf6: {  	s10 =	sadd.s32 $0x2980, s9;
	[sflag:s29] =	ssyncadd.s32 $0xFFFFE000;
	(pc) =	sbr.rel @p1 .LBB2_8-.Ltmp3, $4  }
0xf7: {  	[spmem:s3] =	stream.indirect.scatter.add.f32 [tilespmem:s26], [sflag:$0x3], $0x40, s10, s24, $0xb8;
	[tilespmem:$0x1D100] =	vst v63  }
0xf8: {  	_ =	swait.ge [sflag:s21], $0x2000  }
0xf9: {  	[sflag:s21] =	ssyncset.done $0x0  }
0xfa: {  	s9 =	sadd.s32 $0x180, s9;
	[sflag:s21] =	ssyncadd.s32 $0xFFFFE000  }
0xfb: {  	[tilespmem:s26], [sflag:$0x2] =	stream.indirect.gather [spmem:s2], $0x40, s9, s24, $0xb8;
	[tilespmem:$0x1D100] =	vst v63  }
0xfc: {  	_ =	swait.ge [sflag:s28], $0x2000  }
0xfd: {  	[sflag:s28] =	ssyncset.done $0x0  }
0xfe: {  	[sflag:s28] =	ssyncadd.s32 $0xFFFFE000  }
0xff: {  	_ =	swait.ge [sflag:s29], $0x2000  }
0x100: {  	[sflag:s29] =	ssyncset.done $0x0  }
0x101: {  	[sflag:s29] =	ssyncadd.s32 $0xFFFFE000  }
0x102: {  	[bflag:$0x0] =	sbarrier.arrive $0xFFFF  }
0x103: {  	[spmem:s6], [sflag:s31] =	dma.local [hbm:s5], $0x1400  }
0x104: {  	_ =	swait.ge [sflag:s21], $0x1400  }
0x105: {  	[sflag:s21] =	ssyncset.done $0x0  }
0x106: {  	[sflag:s21] =	ssyncadd.s32 $0xFFFFEC00  }
0x107: {  	s10 =	simm.s32 $0x0;
	[bflag:$0x0] =	sbarrier.arrive $0xFFFF  }
0x108: {  	[tilespmem:s25], [sflag:$0x1] =	stream.indirect.gather [spmem:s3], $0x40, s10, s24, $0xb8;
	[tilespmem:$0x1D100] =	vst v63  }
0x109: {  	_ = 	snop  }
0x10a: {  	[tilespmem:s26], [sflag:$0x2] =	stream.indirect.gather [spmem:s3], $0x40, s24, s24, $0xb8;
	[tilespmem:$0x1D100] =	vst v63  }
0x10b: {  	_ =	swait.ge [sflag:s28], $0x2000  }
0x10c: {  	[sflag:s28] =	ssyncset.done $0x0  }
0x10d: {  	s13 =	simm.s32 $0x2900;
	[sflag:s28] =	ssyncadd.s32 $0xFFFFE000  }
0x10e: {  	[spmem:s2] =	stream.indirect.scatter.add.f32 [tilespmem:s25], [sflag:$0x3], $0x40, s13, s24, $0xb8;
	[tilespmem:$0x1D100] =	vst v63  }
0x10f: {  	_ =	swait.ge [sflag:s21], $0x2000  }
0x110: {  	[sflag:s21] =	ssyncset.done $0x0  }
0x111: {  	s14 =	simm.s32 $0x100;
	[sflag:s21] =	ssyncadd.s32 $0xFFFFE000  }
0x112: {  	[tilespmem:s25], [sflag:$0x1] =	stream.indirect.gather [spmem:s3], $0x40, s14, s24, $0xb8;
	[tilespmem:$0x1D100] =	vst v63  }
0x113: {  	_ =	swait.ge [sflag:s29], $0x2000  }
0x114: {  	[sflag:s29] =	ssyncset.done $0x0  }
0x115: {  	s15 =	simm.s32 $0x2980;
	[sflag:s29] =	ssyncadd.s32 $0xFFFFE000  }
0x116: {  	[spmem:s2] =	stream.indirect.scatter.add.f32 [tilespmem:s26], [sflag:$0x3], $0x40, s15, s24, $0xb8;
	[tilespmem:$0x1D100] =	vst v63  }
0x117: {  	_ =	swait.ge [sflag:s21], $0x2000  }
0x118: {  	[sflag:s21] =	ssyncset.done $0x0  }
0x119: {  	s8 =	simm.s32 $0x180;
	s6 =	simm.s32 $0x400;
	[sflag:s21] =	ssyncadd.s32 $0xFFFFE000  }
.LBB2_10:
0x11a: {  	[tilespmem:s26], [sflag:$0x2] =	stream.indirect.gather [spmem:s3], $0x40, s8, s24, $0xb8;
	[tilespmem:$0x1D100] =	vst v63  }
0x11b: {  	s8 =	smov.u32 s6  }
0x11c: {  	p1 =	sne.s32 s6, $0x9C00;
	s6 =	sadd.s32 $0x400, s6;
	_ =	swait.ge [sflag:s28], $0x2000  }
0x11d: {  	s8 =	sshra.s32 s8, $0x2;
	[sflag:s28] =	ssyncset.done $0x0  }
0x11e: {  	s9 =	sadd.s32 $0x2900, s8;
	[sflag:s28] =	ssyncadd.s32 $0xFFFFE000  }
0x11f: {  	[spmem:s2] =	stream.indirect.scatter.add.f32 [tilespmem:s25], [sflag:$0x3], $0x40, s9, s24, $0xb8;
	[tilespmem:$0x1D100] =	vst v63  }
0x120: {  	_ =	swait.ge [sflag:s21], $0x2000  }
0x121: {  	[sflag:s21] =	ssyncset.done $0x0  }
0x122: {  	s9 =	sadd.s32 $0x100, s8;
	[sflag:s21] =	ssyncadd.s32 $0xFFFFE000  }
0x123: {  	[tilespmem:s25], [sflag:$0x1] =	stream.indirect.gather [spmem:s3], $0x40, s9, s24, $0xb8;
	[tilespmem:$0x1D100] =	vst v63  }
0x124: {  	_ =	swait.ge [sflag:s29], $0x2000  }
0x125: {  	[sflag:s29] =	ssyncset.done $0x0  }
.Ltmp4:
0x126: {  	s9 =	sadd.s32 $0x2980, s8;
	[sflag:s29] =	ssyncadd.s32 $0xFFFFE000;
	(pc) =	sbr.rel @p1 .LBB2_10-.Ltmp4, $4  }
0x127: {  	[spmem:s2] =	stream.indirect.scatter.add.f32 [tilespmem:s26], [sflag:$0x3], $0x40, s9, s24, $0xb8;
	[tilespmem:$0x1D100] =	vst v63  }
0x128: {  	_ =	swait.ge [sflag:s21], $0x2000  }
0x129: {  	[sflag:s21] =	ssyncset.done $0x0  }
0x12a: {  	s8 =	sadd.s32 $0x180, s8;
	[sflag:s21] =	ssyncadd.s32 $0xFFFFE000  }
0x12b: {  	[tilespmem:s26], [sflag:$0x2] =	stream.indirect.gather [spmem:s3], $0x40, s8, s24, $0xb8;
	[tilespmem:$0x1D100] =	vst v63  }
0x12c: {  	_ =	swait.ge [sflag:s28], $0x2000  }
0x12d: {  	[sflag:s28] =	ssyncset.done $0x0  }
0x12e: {  	[sflag:s28] =	ssyncadd.s32 $0xFFFFE000  }
0x12f: {  	_ =	swait.ge [sflag:s29], $0x2000  }
0x130: {  	[sflag:s29] =	ssyncset.done $0x0  }
0x131: {  	[sflag:s29] =	ssyncadd.s32 $0xFFFFE000  }
0x132: {  	[bflag:$0x0] =	sbarrier.arrive $0xFFFF  }
0x133: {  	[spmem:s0], [sflag:s31] =	dma.local [hbm:s5], $0x1400  }
0x134: {  	_ =	swait.ge [sflag:s21], $0x1400  }
0x135: {  	[sflag:s21] =	ssyncset.done $0x0  }
0x136: {  	[sflag:s21] =	ssyncadd.s32 $0xFFFFEC00  }
0x137: {  	s10 =	simm.s32 $0x0;
	[bflag:$0x0] =	sbarrier.arrive $0xFFFF  }
0x138: {  	[tilespmem:s25], [sflag:$0x1] =	stream.indirect.gather [spmem:s2], $0x40, s10, s24, $0xb8;
	[tilespmem:$0x1D100] =	vst v63  }
0x139: {  	_ = 	snop  }
0x13a: {  	[tilespmem:s26], [sflag:$0x2] =	stream.indirect.gather [spmem:s2], $0x40, s24, s24, $0xb8;
	[tilespmem:$0x1D100] =	vst v63  }
0x13b: {  	_ =	swait.ge [sflag:s28], $0x2000  }
0x13c: {  	[sflag:s28] =	ssyncset.done $0x0  }
0x13d: {  	s13 =	simm.s32 $0x2900;
	[sflag:s28] =	ssyncadd.s32 $0xFFFFE000  }
0x13e: {  	[spmem:s3] =	stream.indirect.scatter.add.f32 [tilespmem:s25], [sflag:$0x3], $0x40, s13, s24, $0xb8;
	[tilespmem:$0x1D100] =	vst v63  }
0x13f: {  	_ =	swait.ge [sflag:s21], $0x2000  }
0x140: {  	[sflag:s21] =	ssyncset.done $0x0  }
0x141: {  	s14 =	simm.s32 $0x100;
	[sflag:s21] =	ssyncadd.s32 $0xFFFFE000  }
0x142: {  	[tilespmem:s25], [sflag:$0x1] =	stream.indirect.gather [spmem:s2], $0x40, s14, s24, $0xb8;
	[tilespmem:$0x1D100] =	vst v63  }
0x143: {  	_ =	swait.ge [sflag:s29], $0x2000  }
0x144: {  	[sflag:s29] =	ssyncset.done $0x0  }
0x145: {  	s15 =	simm.s32 $0x2980;
	[sflag:s29] =	ssyncadd.s32 $0xFFFFE000  }
0x146: {  	[spmem:s3] =	stream.indirect.scatter.add.f32 [tilespmem:s26], [sflag:$0x3], $0x40, s15, s24, $0xb8;
	[tilespmem:$0x1D100] =	vst v63  }
0x147: {  	_ =	swait.ge [sflag:s21], $0x2000  }
0x148: {  	[sflag:s21] =	ssyncset.done $0x0  }
0x149: {  	s6 =	simm.s32 $0x180;
	s0 =	simm.s32 $0x400;
	[sflag:s21] =	ssyncadd.s32 $0xFFFFE000  }
.LBB2_12:
0x14a: {  	[tilespmem:s26], [sflag:$0x2] =	stream.indirect.gather [spmem:s2], $0x40, s6, s24, $0xb8;
	[tilespmem:$0x1D100] =	vst v63  }
0x14b: {  	s6 =	smov.u32 s0  }
0x14c: {  	p1 =	sne.s32 s0, $0x9C00;
	s0 =	sadd.s32 $0x400, s0;
	_ =	swait.ge [sflag:s28], $0x2000  }
0x14d: {  	s6 =	sshra.s32 s6, $0x2;
	[sflag:s28] =	ssyncset.done $0x0  }
0x14e: {  	s8 =	sadd.s32 $0x2900, s6;
	[sflag:s28] =	ssyncadd.s32 $0xFFFFE000  }
0x14f: {  	[spmem:s3] =	stream.indirect.scatter.add.f32 [tilespmem:s25], [sflag:$0x3], $0x40, s8, s24, $0xb8;
	[tilespmem:$0x1D100] =	vst v63  }
0x150: {  	_ =	swait.ge [sflag:s21], $0x2000  }
0x151: {  	[sflag:s21] =	ssyncset.done $0x0  }
0x152: {  	s8 =	sadd.s32 $0x100, s6;
	[sflag:s21] =	ssyncadd.s32 $0xFFFFE000  }
0x153: {  	[tilespmem:s25], [sflag:$0x1] =	stream.indirect.gather [spmem:s2], $0x40, s8, s24, $0xb8;
	[tilespmem:$0x1D100] =	vst v63  }
0x154: {  	_ =	swait.ge [sflag:s29], $0x2000  }
0x155: {  	[sflag:s29] =	ssyncset.done $0x0  }
.Ltmp5:
0x156: {  	s8 =	sadd.s32 $0x2980, s6;
	[sflag:s29] =	ssyncadd.s32 $0xFFFFE000;
	(pc) =	sbr.rel @p1 .LBB2_12-.Ltmp5, $4  }
0x157: {  	[spmem:s3] =	stream.indirect.scatter.add.f32 [tilespmem:s26], [sflag:$0x3], $0x40, s8, s24, $0xb8;
	[tilespmem:$0x1D100] =	vst v63  }
0x158: {  	_ =	swait.ge [sflag:s21], $0x2000  }
0x159: {  	[sflag:s21] =	ssyncset.done $0x0  }
0x15a: {  	s6 =	sadd.s32 $0x180, s6;
	[sflag:s21] =	ssyncadd.s32 $0xFFFFE000  }
0x15b: {  	[tilespmem:s26], [sflag:$0x2] =	stream.indirect.gather [spmem:s2], $0x40, s6, s24, $0xb8;
	[tilespmem:$0x1D100] =	vst v63  }
0x15c: {  	_ =	swait.ge [sflag:s28], $0x2000  }
0x15d: {  	[sflag:s28] =	ssyncset.done $0x0  }
0x15e: {  	[sflag:s28] =	ssyncadd.s32 $0xFFFFE000  }
0x15f: {  	_ =	swait.ge [sflag:s29], $0x2000  }
0x160: {  	[sflag:s29] =	ssyncset.done $0x0  }
0x161: {  	s0 =	simm.s32 @p0 $0x1;
	[sflag:s29] =	ssyncadd.s32 $0xFFFFE000  }
0x162: {  	s6 =	simm.s32 @p0 $0x20;
	s8 =	simm.s32 @p0 $0x8;
	[bflag:$0x0] =	sbarrier.arrive $0xFFFF  }
0x163: {  	[hbm:s19@s6], [sflag:s31] =	dma.strided @p0 [spmem:s7@s8], $0xC80, s0, $0x8   }
0x164: {  	s0 =	simm.s32 @p0 $0x3  }
0x165: {  	_ =	swait.ge @p0 [sflag:s0], $0xC80  }
0x166: {  	s30 =	sadd.s32 $0x1, s30;
	s6 =	simm.s32 @!p0 $0x20;
	[sflag:s0] =	ssyncset.done @p0 $0x0  }
0x167: {  	s7 =	simm.s32 @!p0 $0x8;
	[sflag:s0] =	ssyncadd.s32 @p0 $0xFFFFF380;
	s0 =	simm.s32 @!p0 $0x1  }
0x168: {  	[hbm:s18@s6], [sflag:s31] =	dma.strided @!p0 [spmem:s22@s7], $0x1400, s0, $0x8   }
0x169: {  	p1 =	sne.s32 s30, s20;
	s0 =	simm.s32 @!p0 $0x3  }
.Ltmp6:
0x16a: {  	_ =	swait.ge @!p0 [sflag:s0], $0x1400;
	(pc) =	sbr.rel @p1 .LBB2_1-.Ltmp6, $3  }
0x16b: {  	[sflag:s0] =	ssyncset.done @!p0 $0x0  }
0x16c: {  	[sflag:s0] =	ssyncadd.s32 @!p0 $0xFFFFEC00  }
0x16d: {  	[bflag:$0x0] =	sbarrier.arrive $0xFFFF;
	_ =	sdelay $0x1  }
0x16e: {  	_ =	sfence.sel $0x180000  }
0x16f: {  	[bflag:$0x0] =	sbarrier.arrive $0xFFFF  }
0x170: {  	_ =	strace $0x90000047  }
0x171: {  	[bflag:$0x2] =	sbarrier.arrive $0xFFFF  }
0x172: {  	p0 =	sne.s32 s1, $0x0;
	s0 =	rddreg [dreg:$0x4]  }
0x173: {  	s0 =	sadd.s32 @!p0 $0x100000, s0  }
0x174: {  	[sflag:s0] =	ssyncadd.tile.s32 @!p0 $0x1;
	_ =	shalt  }
.Lfunc_end2:
_tile_overlayer_lowered:
.L_overlay_start_2:
0x175: {  	(tag) =	ssettag $0x2  }
0x176: {  	s0 =	rddreg [dreg:$0x0];
	s2 =	stileid.u32  }
0x177: {  	s1 =	rddreg [dreg:$0x1];
	p0 =	sne.s32 s2, $0x0  }
0x178: {  	s3 =	rddreg [dreg:$0x2];
	[bflag:$0x3] =	sbarrier.arrive $0xFFFF;
	s2 =	simm.s32 @!p0 $0x1C03  }
0x179: {  	[timem:s3], [sflag:s2] =	dma.local @!p0 [hbm:s0], s1  }
0x17a: {  	s0 =	simm.s32 @!p0 $0x3  }
0x17b: {  	_ =	swait.ge @!p0 [sflag:s0], s1  }
0x17c: {  	s1 =	ssub.s32 @!p0 $0x0, s1;
	[sflag:s0] =	ssyncset.done @!p0 $0x0  }
0x17d: {  	[sflag:s0] =	ssyncadd.s32 @!p0 s1  }
0x17e: {  	[bflag:$0x3] =	sbarrier.arrive $0xFFFF  }
0x17f: {  	_ =	shalt  }

</sc_bundles>
